<compile_context>
chip_gen: v7x
topology: tpu7x:2x2x1
jax: 0.10.2.dev20260603
libtpu: 0.0.44.dev20260713+nightly
codegen_flags: <defaults>
</compile_context>

<pallas_src>
import functools

import jax
import jax.numpy as jnp
from jax import lax
from jax.experimental import pallas as pl
from jax.experimental.pallas import tpu as pltpu
from jax.experimental.pallas import tpu_sc as plsc


def kernel(x, symbol_library):
    batch, seq_len, d_model = x.shape
    num_workers = 32
    rows_per_worker = seq_len // num_workers
    chunks = (48, 48, 16, 16)
    assert sum(chunks) == rows_per_worker
    starts = [sum(chunks[:i]) for i in range(len(chunks))]
    n_chunks = len(chunks)
    nbuf = 2
    bufrows = max(chunks)

    mesh = plsc.VectorSubcoreMesh(core_axis_name="c", subcore_axis_name="s")

    @functools.partial(
        pl.kernel,
        mesh=mesh,
        out_type=jax.ShapeDtypeStruct((batch, seq_len, d_model), x.dtype),
        scratch_types=[
            pltpu.VMEM((nbuf, bufrows, d_model), jnp.float32),
            pltpu.SemaphoreType.DMA,
            pltpu.SemaphoreType.DMA,
        ],
    )
    def body(table_hbm, out_hbm, bufs, rsem, wsem):
        wid = lax.axis_index("s") * 2 + lax.axis_index("c")
        base = wid * rows_per_worker

        def start_read(c):
            return pltpu.async_copy(
                table_hbm.at[pl.ds(base + starts[c], chunks[c])],
                bufs.at[c % nbuf, pl.ds(0, chunks[c])], rsem)

        reads = {0: start_read(0)}
        writes = {}
        for c in range(n_chunks):
            reads[c].wait()
            if c + 1 < n_chunks:
                if c + 1 >= nbuf:
                    for w in writes.pop(c + 1 - nbuf):
                        w.wait()
                reads[c + 1] = start_read(c + 1)
            writes[c] = [
                pltpu.async_copy(
                    bufs.at[c % nbuf, pl.ds(0, chunks[c])],
                    out_hbm.at[b, pl.ds(base + starts[c], chunks[c])], wsem)
                for b in range(batch)
            ]
        for c in sorted(writes):
            for w in writes[c]:
                w.wait()

    return body(symbol_library)

# --- scband reference (transcript-rebuilt; emitter-appended) ---
"""Pipeline reference for scband-positional-symbol-retriever-55001351192720 (READ-ONLY COPY).

The authoritative reference and input builder live on the scoring server;
editing this copy changes nothing except your own understanding.
"""

import jax, jax.numpy as jnp
import numpy as np

D_MODEL = 1024
MAX_LENGTH = 8192
BATCH = 4
SEQ_LEN = 4096

def setup_inputs(seed: int = 0) -> dict:
    key = jax.random.key(seed)
    k1, k2 = jax.random.split(key)
    x = jax.random.normal(k1, (BATCH, SEQ_LEN, D_MODEL), dtype=jnp.float32)
    # nn.Embedding default init: N(0, 1)
    symbol_library = jax.random.normal(k2, (MAX_LENGTH, D_MODEL), dtype=jnp.float32)
    return {"x": x, "symbol_library": symbol_library}

def reference(x, symbol_library):
    batch_size, seq_len, _ = x.shape
    pos = jnp.arange(seq_len, dtype=jnp.int32)
    retrieved = jnp.take(symbol_library, pos, axis=0)  # [S, D]
    retrieved = jnp.broadcast_to(retrieved[None, :, :], (batch_size, seq_len, retrieved.shape[-1]))
    retrieved = retrieved.astype(x.dtype)
    return retrieved

if __name__ == "__main__":
    import jax
    _d = setup_inputs()
    print(jax.jit(kernel)(*tuple(_d.values())))

</pallas_src>

<mosaic_0001>
#map = affine_map<(d0, d1) -> (0, 0)>
#map1 = affine_map<(d0, d1) -> (0, 0, 0)>
module attributes {stable_mosaic.version = 14 : i64} {
  func.func @body(%arg0: i32, %arg1: i32, %arg2: memref<8192x1024xf32, #tpu.memory_space<hbm>>, %arg3: memref<4x4096x1024xf32, #tpu.memory_space<hbm>>, %arg4: memref<2x48x1024xf32, #tpu.memory_space<vmem>>, %arg5: memref<!tpu.dma_semaphore, #tpu.memory_space<semaphore_mem>>, %arg6: memref<!tpu.dma_semaphore, #tpu.memory_space<semaphore_mem>>) attributes {dimension_semantics = [#tpu.dimension_semantics<core_parallel>, #tpu.dimension_semantics<subcore_parallel>], iteration_bounds = array<i64: 2, 16>, scalar_prefetch = 0 : i64, scratch_operands = 3 : i64, tpu.core_type = #tpu.core_type<sc_vector_subcore>, window_params = [{transform_indices = #map}, {transform_indices = #map1}]} {
    %mul3A = arith.constant 2 : i32
    %mul3A_0 = arith.muli %arg1, %mul3A : i32
    %add3A = arith.addi %mul3A_0, %arg0 : i32
    %mul3A_1 = arith.constant 128 : i32
    %mul3A_2 = arith.muli %add3A, %mul3A_1 : i32
    %add3A_3 = arith.constant 0 : i32
    %add3A_4 = arith.addi %mul3A_2, %add3A_3 : i32
    %dma_start3A = arith.constant 0 : i32
    %dma_start3A_5 = arith.constant 0 : i32
    %dma_start3A_6 = arith.constant 0 : i32
    %dma_start3A_7 = tpu.memref_slice %arg4[%dma_start3A, %dma_start3A_5, %dma_start3A_6] : memref<2x48x1024xf32, #tpu.memory_space<vmem>> -> memref<1x48x1024xf32, #tpu.memory_space<vmem>>
    %dma_start3A_8 = tpu.memref_squeeze %dma_start3A_7 : memref<1x48x1024xf32, #tpu.memory_space<vmem>> -> memref<48x1024xf32, #tpu.memory_space<vmem>>
    %dma_start3A_9 = arith.constant 0 : i32
    %dma_start3A_10 = tpu.memref_slice %arg2[%add3A_4, %dma_start3A_9] : memref<8192x1024xf32, #tpu.memory_space<hbm>> -> memref<48x1024xf32, #tpu.memory_space<hbm>>
    %dma_start3A_11 = arith.constant 0 : i32
    %dma_start3A_12 = arith.constant 0 : i32
    %dma_start3A_13 = tpu.memref_slice %arg4[%dma_start3A, %dma_start3A_11, %dma_start3A_12] : memref<2x48x1024xf32, #tpu.memory_space<vmem>> -> memref<1x48x1024xf32, #tpu.memory_space<vmem>>
    %dma_start3A_14 = tpu.memref_squeeze %dma_start3A_13 : memref<1x48x1024xf32, #tpu.memory_space<vmem>> -> memref<48x1024xf32, #tpu.memory_space<vmem>>
    %dma_start3A_15 = arith.constant 0 : i32
    %dma_start3A_16 = tpu.memref_slice %arg2[%add3A_4, %dma_start3A_15] : memref<8192x1024xf32, #tpu.memory_space<hbm>> -> memref<48x1024xf32, #tpu.memory_space<hbm>>
    tpu.enqueue_dma source(%dma_start3A_16 : memref<48x1024xf32, #tpu.memory_space<hbm>>) target(%dma_start3A_14 : memref<48x1024xf32, #tpu.memory_space<vmem>>) target_semaphore(%arg5 : memref<!tpu.dma_semaphore, #tpu.memory_space<semaphore_mem>>)
    %dma_wait3A = arith.constant 0 : i32
    %dma_wait3A_17 = arith.constant 0 : i32
    %dma_wait3A_18 = arith.constant 0 : i32
    %dma_wait3A_19 = tpu.memref_slice %arg4[%dma_wait3A, %dma_wait3A_17, %dma_wait3A_18] : memref<2x48x1024xf32, #tpu.memory_space<vmem>> -> memref<1x48x1024xf32, #tpu.memory_space<vmem>>
    %dma_wait3A_20 = tpu.memref_squeeze %dma_wait3A_19 : memref<1x48x1024xf32, #tpu.memory_space<vmem>> -> memref<48x1024xf32, #tpu.memory_space<vmem>>
    %dma_wait3A_21 = arith.constant 0 : i32
    %dma_wait3A_22 = tpu.memref_slice %arg2[%add3A_4, %dma_wait3A_21] : memref<8192x1024xf32, #tpu.memory_space<hbm>> -> memref<48x1024xf32, #tpu.memory_space<hbm>>
    %dma_wait3A_23 = arith.constant 0 : i32
    %dma_wait3A_24 = arith.constant 0 : i32
    %dma_wait3A_25 = tpu.memref_slice %arg4[%dma_wait3A, %dma_wait3A_23, %dma_wait3A_24] : memref<2x48x1024xf32, #tpu.memory_space<vmem>> -> memref<1x48x1024xf32, #tpu.memory_space<vmem>>
    %dma_wait3A_26 = tpu.memref_squeeze %dma_wait3A_25 : memref<1x48x1024xf32, #tpu.memory_space<vmem>> -> memref<48x1024xf32, #tpu.memory_space<vmem>>
    %dma_wait3A_27 = arith.constant 0 : i32
    %dma_wait3A_28 = tpu.memref_slice %arg2[%add3A_4, %dma_wait3A_27] : memref<8192x1024xf32, #tpu.memory_space<hbm>> -> memref<48x1024xf32, #tpu.memory_space<hbm>>
    tpu.wait_dma2 semaphore(%arg5 : memref<!tpu.dma_semaphore, #tpu.memory_space<semaphore_mem>>) src(%dma_wait3A_28 : memref<48x1024xf32, #tpu.memory_space<hbm>>) dst(%dma_wait3A_26 : memref<48x1024xf32, #tpu.memory_space<vmem>>)
    %add3A_29 = arith.constant 48 : i32
    %add3A_30 = arith.addi %mul3A_2, %add3A_29 : i32
    %dma_start3A_31 = arith.constant 1 : i32
    %dma_start3A_32 = arith.constant 0 : i32
    %dma_start3A_33 = arith.constant 0 : i32
    %dma_start3A_34 = tpu.memref_slice %arg4[%dma_start3A_31, %dma_start3A_32, %dma_start3A_33] : memref<2x48x1024xf32, #tpu.memory_space<vmem>> -> memref<1x48x1024xf32, #tpu.memory_space<vmem>>
    %dma_start3A_35 = tpu.memref_squeeze %dma_start3A_34 : memref<1x48x1024xf32, #tpu.memory_space<vmem>> -> memref<48x1024xf32, #tpu.memory_space<vmem>>
    %dma_start3A_36 = arith.constant 0 : i32
    %dma_start3A_37 = tpu.memref_slice %arg2[%add3A_30, %dma_start3A_36] : memref<8192x1024xf32, #tpu.memory_space<hbm>> -> memref<48x1024xf32, #tpu.memory_space<hbm>>
    %dma_start3A_38 = arith.constant 0 : i32
    %dma_start3A_39 = arith.constant 0 : i32
    %dma_start3A_40 = tpu.memref_slice %arg4[%dma_start3A_31, %dma_start3A_38, %dma_start3A_39] : memref<2x48x1024xf32, #tpu.memory_space<vmem>> -> memref<1x48x1024xf32, #tpu.memory_space<vmem>>
    %dma_start3A_41 = tpu.memref_squeeze %dma_start3A_40 : memref<1x48x1024xf32, #tpu.memory_space<vmem>> -> memref<48x1024xf32, #tpu.memory_space<vmem>>
    %dma_start3A_42 = arith.constant 0 : i32
    %dma_start3A_43 = tpu.memref_slice %arg2[%add3A_30, %dma_start3A_42] : memref<8192x1024xf32, #tpu.memory_space<hbm>> -> memref<48x1024xf32, #tpu.memory_space<hbm>>
    tpu.enqueue_dma source(%dma_start3A_43 : memref<48x1024xf32, #tpu.memory_space<hbm>>) target(%dma_start3A_41 : memref<48x1024xf32, #tpu.memory_space<vmem>>) target_semaphore(%arg5 : memref<!tpu.dma_semaphore, #tpu.memory_space<semaphore_mem>>)
    %add3A_44 = arith.constant 0 : i32
    %add3A_45 = arith.addi %mul3A_2, %add3A_44 : i32
    %dma_start3A_46 = arith.constant 0 : i32
    %dma_start3A_47 = arith.constant 0 : i32
    %dma_start3A_48 = arith.constant 0 : i32
    %dma_start3A_49 = arith.constant 0 : i32
    %dma_start3A_50 = tpu.memref_slice %arg4[%dma_start3A_46, %dma_start3A_48, %dma_start3A_49] : memref<2x48x1024xf32, #tpu.memory_space<vmem>> -> memref<1x48x1024xf32, #tpu.memory_space<vmem>>
    %dma_start3A_51 = tpu.memref_squeeze %dma_start3A_50 : memref<1x48x1024xf32, #tpu.memory_space<vmem>> -> memref<48x1024xf32, #tpu.memory_space<vmem>>
    %dma_start3A_52 = arith.constant 0 : i32
    %dma_start3A_53 = tpu.memref_slice %arg3[%dma_start3A_47, %add3A_45, %dma_start3A_52] : memref<4x4096x1024xf32, #tpu.memory_space<hbm>> -> memref<1x48x1024xf32, #tpu.memory_space<hbm>>
    %dma_start3A_54 = tpu.memref_squeeze %dma_start3A_53 : memref<1x48x1024xf32, #tpu.memory_space<hbm>> -> memref<48x1024xf32, #tpu.memory_space<hbm>>
    %dma_start3A_55 = arith.constant 0 : i32
    %dma_start3A_56 = tpu.memref_slice %arg3[%dma_start3A_47, %add3A_45, %dma_start3A_55] : memref<4x4096x1024xf32, #tpu.memory_space<hbm>> -> memref<1x48x1024xf32, #tpu.memory_space<hbm>>
    %dma_start3A_57 = tpu.memref_squeeze %dma_start3A_56 : memref<1x48x1024xf32, #tpu.memory_space<hbm>> -> memref<48x1024xf32, #tpu.memory_space<hbm>>
    %dma_start3A_58 = arith.constant 0 : i32
    %dma_start3A_59 = arith.constant 0 : i32
    %dma_start3A_60 = tpu.memref_slice %arg4[%dma_start3A_46, %dma_start3A_58, %dma_start3A_59] : memref<2x48x1024xf32, #tpu.memory_space<vmem>> -> memref<1x48x1024xf32, #tpu.memory_space<vmem>>
    %dma_start3A_61 = tpu.memref_squeeze %dma_start3A_60 : memref<1x48x1024xf32, #tpu.memory_space<vmem>> -> memref<48x1024xf32, #tpu.memory_space<vmem>>
    tpu.enqueue_dma source(%dma_start3A_61 : memref<48x1024xf32, #tpu.memory_space<vmem>>) target(%dma_start3A_57 : memref<48x1024xf32, #tpu.memory_space<hbm>>) target_semaphore(%arg6 : memref<!tpu.dma_semaphore, #tpu.memory_space<semaphore_mem>>)
    %add3A_62 = arith.constant 0 : i32
    %add3A_63 = arith.addi %mul3A_2, %add3A_62 : i32
    %dma_start3A_64 = arith.constant 0 : i32
    %dma_start3A_65 = arith.constant 1 : i32
    %dma_start3A_66 = arith.constant 0 : i32
    %dma_start3A_67 = arith.constant 0 : i32
    %dma_start3A_68 = tpu.memref_slice %arg4[%dma_start3A_64, %dma_start3A_66, %dma_start3A_67] : memref<2x48x1024xf32, #tpu.memory_space<vmem>> -> memref<1x48x1024xf32, #tpu.memory_space<vmem>>
    %dma_start3A_69 = tpu.memref_squeeze %dma_start3A_68 : memref<1x48x1024xf32, #tpu.memory_space<vmem>> -> memref<48x1024xf32, #tpu.memory_space<vmem>>
    %dma_start3A_70 = arith.constant 0 : i32
    %dma_start3A_71 = tpu.memref_slice %arg3[%dma_start3A_65, %add3A_63, %dma_start3A_70] : memref<4x4096x1024xf32, #tpu.memory_space<hbm>> -> memref<1x48x1024xf32, #tpu.memory_space<hbm>>
    %dma_start3A_72 = tpu.memref_squeeze %dma_start3A_71 : memref<1x48x1024xf32, #tpu.memory_space<hbm>> -> memref<48x1024xf32, #tpu.memory_space<hbm>>
    %dma_start3A_73 = arith.constant 0 : i32
    %dma_start3A_74 = tpu.memref_slice %arg3[%dma_start3A_65, %add3A_63, %dma_start3A_73] : memref<4x4096x1024xf32, #tpu.memory_space<hbm>> -> memref<1x48x1024xf32, #tpu.memory_space<hbm>>
    %dma_start3A_75 = tpu.memref_squeeze %dma_start3A_74 : memref<1x48x1024xf32, #tpu.memory_space<hbm>> -> memref<48x1024xf32, #tpu.memory_space<hbm>>
    %dma_start3A_76 = arith.constant 0 : i32
    %dma_start3A_77 = arith.constant 0 : i32
    %dma_start3A_78 = tpu.memref_slice %arg4[%dma_start3A_64, %dma_start3A_76, %dma_start3A_77] : memref<2x48x1024xf32, #tpu.memory_space<vmem>> -> memref<1x48x1024xf32, #tpu.memory_space<vmem>>
    %dma_start3A_79 = tpu.memref_squeeze %dma_start3A_78 : memref<1x48x1024xf32, #tpu.memory_space<vmem>> -> memref<48x1024xf32, #tpu.memory_space<vmem>>
    tpu.enqueue_dma source(%dma_start3A_79 : memref<48x1024xf32, #tpu.memory_space<vmem>>) target(%dma_start3A_75 : memref<48x1024xf32, #tpu.memory_space<hbm>>) target_semaphore(%arg6 : memref<!tpu.dma_semaphore, #tpu.memory_space<semaphore_mem>>)
    %add3A_80 = arith.constant 0 : i32
    %add3A_81 = arith.addi %mul3A_2, %add3A_80 : i32
    %dma_start3A_82 = arith.constant 0 : i32
    %dma_start3A_83 = arith.constant 2 : i32
    %dma_start3A_84 = arith.constant 0 : i32
    %dma_start3A_85 = arith.constant 0 : i32
    %dma_start3A_86 = tpu.memref_slice %arg4[%dma_start3A_82, %dma_start3A_84, %dma_start3A_85] : memref<2x48x1024xf32, #tpu.memory_space<vmem>> -> memref<1x48x1024xf32, #tpu.memory_space<vmem>>
    %dma_start3A_87 = tpu.memref_squeeze %dma_start3A_86 : memref<1x48x1024xf32, #tpu.memory_space<vmem>> -> memref<48x1024xf32, #tpu.memory_space<vmem>>
    %dma_start3A_88 = arith.constant 0 : i32
    %dma_start3A_89 = tpu.memref_slice %arg3[%dma_start3A_83, %add3A_81, %dma_start3A_88] : memref<4x4096x1024xf32, #tpu.memory_space<hbm>> -> memref<1x48x1024xf32, #tpu.memory_space<hbm>>
    %dma_start3A_90 = tpu.memref_squeeze %dma_start3A_89 : memref<1x48x1024xf32, #tpu.memory_space<hbm>> -> memref<48x1024xf32, #tpu.memory_space<hbm>>
    %dma_start3A_91 = arith.constant 0 : i32
    %dma_start3A_92 = tpu.memref_slice %arg3[%dma_start3A_83, %add3A_81, %dma_start3A_91] : memref<4x4096x1024xf32, #tpu.memory_space<hbm>> -> memref<1x48x1024xf32, #tpu.memory_space<hbm>>
    %dma_start3A_93 = tpu.memref_squeeze %dma_start3A_92 : memref<1x48x1024xf32, #tpu.memory_space<hbm>> -> memref<48x1024xf32, #tpu.memory_space<hbm>>
    %dma_start3A_94 = arith.constant 0 : i32
    %dma_start3A_95 = arith.constant 0 : i32
    %dma_start3A_96 = tpu.memref_slice %arg4[%dma_start3A_82, %dma_start3A_94, %dma_start3A_95] : memref<2x48x1024xf32, #tpu.memory_space<vmem>> -> memref<1x48x1024xf32, #tpu.memory_space<vmem>>
    %dma_start3A_97 = tpu.memref_squeeze %dma_start3A_96 : memref<1x48x1024xf32, #tpu.memory_space<vmem>> -> memref<48x1024xf32, #tpu.memory_space<vmem>>
    tpu.enqueue_dma source(%dma_start3A_97 : memref<48x1024xf32, #tpu.memory_space<vmem>>) target(%dma_start3A_93 : memref<48x1024xf32, #tpu.memory_space<hbm>>) target_semaphore(%arg6 : memref<!tpu.dma_semaphore, #tpu.memory_space<semaphore_mem>>)
    %add3A_98 = arith.constant 0 : i32
    %add3A_99 = arith.addi %mul3A_2, %add3A_98 : i32
    %dma_start3A_100 = arith.constant 0 : i32
    %dma_start3A_101 = arith.constant 3 : i32
    %dma_start3A_102 = arith.constant 0 : i32
    %dma_start3A_103 = arith.constant 0 : i32
    %dma_start3A_104 = tpu.memref_slice %arg4[%dma_start3A_100, %dma_start3A_102, %dma_start3A_103] : memref<2x48x1024xf32, #tpu.memory_space<vmem>> -> memref<1x48x1024xf32, #tpu.memory_space<vmem>>
    %dma_start3A_105 = tpu.memref_squeeze %dma_start3A_104 : memref<1x48x1024xf32, #tpu.memory_space<vmem>> -> memref<48x1024xf32, #tpu.memory_space<vmem>>
    %dma_start3A_106 = arith.constant 0 : i32
    %dma_start3A_107 = tpu.memref_slice %arg3[%dma_start3A_101, %add3A_99, %dma_start3A_106] : memref<4x4096x1024xf32, #tpu.memory_space<hbm>> -> memref<1x48x1024xf32, #tpu.memory_space<hbm>>
    %dma_start3A_108 = tpu.memref_squeeze %dma_start3A_107 : memref<1x48x1024xf32, #tpu.memory_space<hbm>> -> memref<48x1024xf32, #tpu.memory_space<hbm>>
    %dma_start3A_109 = arith.constant 0 : i32
    %dma_start3A_110 = tpu.memref_slice %arg3[%dma_start3A_101, %add3A_99, %dma_start3A_109] : memref<4x4096x1024xf32, #tpu.memory_space<hbm>> -> memref<1x48x1024xf32, #tpu.memory_space<hbm>>
    %dma_start3A_111 = tpu.memref_squeeze %dma_start3A_110 : memref<1x48x1024xf32, #tpu.memory_space<hbm>> -> memref<48x1024xf32, #tpu.memory_space<hbm>>
    %dma_start3A_112 = arith.constant 0 : i32
    %dma_start3A_113 = arith.constant 0 : i32
    %dma_start3A_114 = tpu.memref_slice %arg4[%dma_start3A_100, %dma_start3A_112, %dma_start3A_113] : memref<2x48x1024xf32, #tpu.memory_space<vmem>> -> memref<1x48x1024xf32, #tpu.memory_space<vmem>>
    %dma_start3A_115 = tpu.memref_squeeze %dma_start3A_114 : memref<1x48x1024xf32, #tpu.memory_space<vmem>> -> memref<48x1024xf32, #tpu.memory_space<vmem>>
    tpu.enqueue_dma source(%dma_start3A_115 : memref<48x1024xf32, #tpu.memory_space<vmem>>) target(%dma_start3A_111 : memref<48x1024xf32, #tpu.memory_space<hbm>>) target_semaphore(%arg6 : memref<!tpu.dma_semaphore, #tpu.memory_space<semaphore_mem>>)
    %dma_wait3A_116 = arith.constant 1 : i32
    %dma_wait3A_117 = arith.constant 0 : i32
    %dma_wait3A_118 = arith.constant 0 : i32
    %dma_wait3A_119 = tpu.memref_slice %arg4[%dma_wait3A_116, %dma_wait3A_117, %dma_wait3A_118] : memref<2x48x1024xf32, #tpu.memory_space<vmem>> -> memref<1x48x1024xf32, #tpu.memory_space<vmem>>
    %dma_wait3A_120 = tpu.memref_squeeze %dma_wait3A_119 : memref<1x48x1024xf32, #tpu.memory_space<vmem>> -> memref<48x1024xf32, #tpu.memory_space<vmem>>
    %dma_wait3A_121 = arith.constant 0 : i32
    %dma_wait3A_122 = tpu.memref_slice %arg2[%add3A_30, %dma_wait3A_121] : memref<8192x1024xf32, #tpu.memory_space<hbm>> -> memref<48x1024xf32, #tpu.memory_space<hbm>>
    %dma_wait3A_123 = arith.constant 0 : i32
    %dma_wait3A_124 = arith.constant 0 : i32
    %dma_wait3A_125 = tpu.memref_slice %arg4[%dma_wait3A_116, %dma_wait3A_123, %dma_wait3A_124] : memref<2x48x1024xf32, #tpu.memory_space<vmem>> -> memref<1x48x1024xf32, #tpu.memory_space<vmem>>
    %dma_wait3A_126 = tpu.memref_squeeze %dma_wait3A_125 : memref<1x48x1024xf32, #tpu.memory_space<vmem>> -> memref<48x1024xf32, #tpu.memory_space<vmem>>
    %dma_wait3A_127 = arith.constant 0 : i32
    %dma_wait3A_128 = tpu.memref_slice %arg2[%add3A_30, %dma_wait3A_127] : memref<8192x1024xf32, #tpu.memory_space<hbm>> -> memref<48x1024xf32, #tpu.memory_space<hbm>>
    tpu.wait_dma2 semaphore(%arg5 : memref<!tpu.dma_semaphore, #tpu.memory_space<semaphore_mem>>) src(%dma_wait3A_128 : memref<48x1024xf32, #tpu.memory_space<hbm>>) dst(%dma_wait3A_126 : memref<48x1024xf32, #tpu.memory_space<vmem>>)
    %dma_wait3A_129 = arith.constant 0 : i32
    %dma_wait3A_130 = arith.constant 0 : i32
    %dma_wait3A_131 = arith.constant 0 : i32
    %dma_wait3A_132 = arith.constant 0 : i32
    %dma_wait3A_133 = tpu.memref_slice %arg4[%dma_wait3A_129, %dma_wait3A_131, %dma_wait3A_132] : memref<2x48x1024xf32, #tpu.memory_space<vmem>> -> memref<1x48x1024xf32, #tpu.memory_space<vmem>>
    %dma_wait3A_134 = tpu.memref_squeeze %dma_wait3A_133 : memref<1x48x1024xf32, #tpu.memory_space<vmem>> -> memref<48x1024xf32, #tpu.memory_space<vmem>>
    %dma_wait3A_135 = arith.constant 0 : i32
    %dma_wait3A_136 = tpu.memref_slice %arg3[%dma_wait3A_130, %add3A_45, %dma_wait3A_135] : memref<4x4096x1024xf32, #tpu.memory_space<hbm>> -> memref<1x48x1024xf32, #tpu.memory_space<hbm>>
    %dma_wait3A_137 = tpu.memref_squeeze %dma_wait3A_136 : memref<1x48x1024xf32, #tpu.memory_space<hbm>> -> memref<48x1024xf32, #tpu.memory_space<hbm>>
    %dma_wait3A_138 = arith.constant 0 : i32
    %dma_wait3A_139 = tpu.memref_slice %arg3[%dma_wait3A_130, %add3A_45, %dma_wait3A_138] : memref<4x4096x1024xf32, #tpu.memory_space<hbm>> -> memref<1x48x1024xf32, #tpu.memory_space<hbm>>
    %dma_wait3A_140 = tpu.memref_squeeze %dma_wait3A_139 : memref<1x48x1024xf32, #tpu.memory_space<hbm>> -> memref<48x1024xf32, #tpu.memory_space<hbm>>
    %dma_wait3A_141 = arith.constant 0 : i32
    %dma_wait3A_142 = arith.constant 0 : i32
    %dma_wait3A_143 = tpu.memref_slice %arg4[%dma_wait3A_129, %dma_wait3A_141, %dma_wait3A_142] : memref<2x48x1024xf32, #tpu.memory_space<vmem>> -> memref<1x48x1024xf32, #tpu.memory_space<vmem>>
    %dma_wait3A_144 = tpu.memref_squeeze %dma_wait3A_143 : memref<1x48x1024xf32, #tpu.memory_space<vmem>> -> memref<48x1024xf32, #tpu.memory_space<vmem>>
    tpu.wait_dma2 semaphore(%arg6 : memref<!tpu.dma_semaphore, #tpu.memory_space<semaphore_mem>>) src(%dma_wait3A_144 : memref<48x1024xf32, #tpu.memory_space<vmem>>) dst(%dma_wait3A_140 : memref<48x1024xf32, #tpu.memory_space<hbm>>)
    %dma_wait3A_145 = arith.constant 0 : i32
    %dma_wait3A_146 = arith.constant 1 : i32
    %dma_wait3A_147 = arith.constant 0 : i32
    %dma_wait3A_148 = arith.constant 0 : i32
    %dma_wait3A_149 = tpu.memref_slice %arg4[%dma_wait3A_145, %dma_wait3A_147, %dma_wait3A_148] : memref<2x48x1024xf32, #tpu.memory_space<vmem>> -> memref<1x48x1024xf32, #tpu.memory_space<vmem>>
    %dma_wait3A_150 = tpu.memref_squeeze %dma_wait3A_149 : memref<1x48x1024xf32, #tpu.memory_space<vmem>> -> memref<48x1024xf32, #tpu.memory_space<vmem>>
    %dma_wait3A_151 = arith.constant 0 : i32
    %dma_wait3A_152 = tpu.memref_slice %arg3[%dma_wait3A_146, %add3A_63, %dma_wait3A_151] : memref<4x4096x1024xf32, #tpu.memory_space<hbm>> -> memref<1x48x1024xf32, #tpu.memory_space<hbm>>
    %dma_wait3A_153 = tpu.memref_squeeze %dma_wait3A_152 : memref<1x48x1024xf32, #tpu.memory_space<hbm>> -> memref<48x1024xf32, #tpu.memory_space<hbm>>
    %dma_wait3A_154 = arith.constant 0 : i32
    %dma_wait3A_155 = tpu.memref_slice %arg3[%dma_wait3A_146, %add3A_63, %dma_wait3A_154] : memref<4x4096x1024xf32, #tpu.memory_space<hbm>> -> memref<1x48x1024xf32, #tpu.memory_space<hbm>>
    %dma_wait3A_156 = tpu.memref_squeeze %dma_wait3A_155 : memref<1x48x1024xf32, #tpu.memory_space<hbm>> -> memref<48x1024xf32, #tpu.memory_space<hbm>>
    %dma_wait3A_157 = arith.constant 0 : i32
    %dma_wait3A_158 = arith.constant 0 : i32
    %dma_wait3A_159 = tpu.memref_slice %arg4[%dma_wait3A_145, %dma_wait3A_157, %dma_wait3A_158] : memref<2x48x1024xf32, #tpu.memory_space<vmem>> -> memref<1x48x1024xf32, #tpu.memory_space<vmem>>
    %dma_wait3A_160 = tpu.memref_squeeze %dma_wait3A_159 : memref<1x48x1024xf32, #tpu.memory_space<vmem>> -> memref<48x1024xf32, #tpu.memory_space<vmem>>
    tpu.wait_dma2 semaphore(%arg6 : memref<!tpu.dma_semaphore, #tpu.memory_space<semaphore_mem>>) src(%dma_wait3A_160 : memref<48x1024xf32, #tpu.memory_space<vmem>>) dst(%dma_wait3A_156 : memref<48x1024xf32, #tpu.memory_space<hbm>>)
    %dma_wait3A_161 = arith.constant 0 : i32
    %dma_wait3A_162 = arith.constant 2 : i32
    %dma_wait3A_163 = arith.constant 0 : i32
    %dma_wait3A_164 = arith.constant 0 : i32
    %dma_wait3A_165 = tpu.memref_slice %arg4[%dma_wait3A_161, %dma_wait3A_163, %dma_wait3A_164] : memref<2x48x1024xf32, #tpu.memory_space<vmem>> -> memref<1x48x1024xf32, #tpu.memory_space<vmem>>
    %dma_wait3A_166 = tpu.memref_squeeze %dma_wait3A_165 : memref<1x48x1024xf32, #tpu.memory_space<vmem>> -> memref<48x1024xf32, #tpu.memory_space<vmem>>
    %dma_wait3A_167 = arith.constant 0 : i32
    %dma_wait3A_168 = tpu.memref_slice %arg3[%dma_wait3A_162, %add3A_81, %dma_wait3A_167] : memref<4x4096x1024xf32, #tpu.memory_space<hbm>> -> memref<1x48x1024xf32, #tpu.memory_space<hbm>>
    %dma_wait3A_169 = tpu.memref_squeeze %dma_wait3A_168 : memref<1x48x1024xf32, #tpu.memory_space<hbm>> -> memref<48x1024xf32, #tpu.memory_space<hbm>>
    %dma_wait3A_170 = arith.constant 0 : i32
    %dma_wait3A_171 = tpu.memref_slice %arg3[%dma_wait3A_162, %add3A_81, %dma_wait3A_170] : memref<4x4096x1024xf32, #tpu.memory_space<hbm>> -> memref<1x48x1024xf32, #tpu.memory_space<hbm>>
    %dma_wait3A_172 = tpu.memref_squeeze %dma_wait3A_171 : memref<1x48x1024xf32, #tpu.memory_space<hbm>> -> memref<48x1024xf32, #tpu.memory_space<hbm>>
    %dma_wait3A_173 = arith.constant 0 : i32
    %dma_wait3A_174 = arith.constant 0 : i32
    %dma_wait3A_175 = tpu.memref_slice %arg4[%dma_wait3A_161, %dma_wait3A_173, %dma_wait3A_174] : memref<2x48x1024xf32, #tpu.memory_space<vmem>> -> memref<1x48x1024xf32, #tpu.memory_space<vmem>>
    %dma_wait3A_176 = tpu.memref_squeeze %dma_wait3A_175 : memref<1x48x1024xf32, #tpu.memory_space<vmem>> -> memref<48x1024xf32, #tpu.memory_space<vmem>>
    tpu.wait_dma2 semaphore(%arg6 : memref<!tpu.dma_semaphore, #tpu.memory_space<semaphore_mem>>) src(%dma_wait3A_176 : memref<48x1024xf32, #tpu.memory_space<vmem>>) dst(%dma_wait3A_172 : memref<48x1024xf32, #tpu.memory_space<hbm>>)
    %dma_wait3A_177 = arith.constant 0 : i32
    %dma_wait3A_178 = arith.constant 3 : i32
    %dma_wait3A_179 = arith.constant 0 : i32
    %dma_wait3A_180 = arith.constant 0 : i32
    %dma_wait3A_181 = tpu.memref_slice %arg4[%dma_wait3A_177, %dma_wait3A_179, %dma_wait3A_180] : memref<2x48x1024xf32, #tpu.memory_space<vmem>> -> memref<1x48x1024xf32, #tpu.memory_space<vmem>>
    %dma_wait3A_182 = tpu.memref_squeeze %dma_wait3A_181 : memref<1x48x1024xf32, #tpu.memory_space<vmem>> -> memref<48x1024xf32, #tpu.memory_space<vmem>>
    %dma_wait3A_183 = arith.constant 0 : i32
    %dma_wait3A_184 = tpu.memref_slice %arg3[%dma_wait3A_178, %add3A_99, %dma_wait3A_183] : memref<4x4096x1024xf32, #tpu.memory_space<hbm>> -> memref<1x48x1024xf32, #tpu.memory_space<hbm>>
    %dma_wait3A_185 = tpu.memref_squeeze %dma_wait3A_184 : memref<1x48x1024xf32, #tpu.memory_space<hbm>> -> memref<48x1024xf32, #tpu.memory_space<hbm>>
    %dma_wait3A_186 = arith.constant 0 : i32
    %dma_wait3A_187 = tpu.memref_slice %arg3[%dma_wait3A_178, %add3A_99, %dma_wait3A_186] : memref<4x4096x1024xf32, #tpu.memory_space<hbm>> -> memref<1x48x1024xf32, #tpu.memory_space<hbm>>
    %dma_wait3A_188 = tpu.memref_squeeze %dma_wait3A_187 : memref<1x48x1024xf32, #tpu.memory_space<hbm>> -> memref<48x1024xf32, #tpu.memory_space<hbm>>
    %dma_wait3A_189 = arith.constant 0 : i32
    %dma_wait3A_190 = arith.constant 0 : i32
    %dma_wait3A_191 = tpu.memref_slice %arg4[%dma_wait3A_177, %dma_wait3A_189, %dma_wait3A_190] : memref<2x48x1024xf32, #tpu.memory_space<vmem>> -> memref<1x48x1024xf32, #tpu.memory_space<vmem>>
    %dma_wait3A_192 = tpu.memref_squeeze %dma_wait3A_191 : memref<1x48x1024xf32, #tpu.memory_space<vmem>> -> memref<48x1024xf32, #tpu.memory_space<vmem>>
    tpu.wait_dma2 semaphore(%arg6 : memref<!tpu.dma_semaphore, #tpu.memory_space<semaphore_mem>>) src(%dma_wait3A_192 : memref<48x1024xf32, #tpu.memory_space<vmem>>) dst(%dma_wait3A_188 : memref<48x1024xf32, #tpu.memory_space<hbm>>)
    %add3A_193 = arith.constant 96 : i32
    %add3A_194 = arith.addi %mul3A_2, %add3A_193 : i32
    %dma_start3A_195 = arith.constant 0 : i32
    %dma_start3A_196 = arith.constant 0 : i32
    %dma_start3A_197 = arith.constant 0 : i32
    %dma_start3A_198 = tpu.memref_slice %arg4[%dma_start3A_195, %dma_start3A_196, %dma_start3A_197] : memref<2x48x1024xf32, #tpu.memory_space<vmem>> -> memref<1x16x1024xf32, #tpu.memory_space<vmem>>
    %dma_start3A_199 = tpu.memref_squeeze %dma_start3A_198 : memref<1x16x1024xf32, #tpu.memory_space<vmem>> -> memref<16x1024xf32, #tpu.memory_space<vmem>>
    %dma_start3A_200 = arith.constant 0 : i32
    %dma_start3A_201 = tpu.memref_slice %arg2[%add3A_194, %dma_start3A_200] : memref<8192x1024xf32, #tpu.memory_space<hbm>> -> memref<16x1024xf32, #tpu.memory_space<hbm>>
    %dma_start3A_202 = arith.constant 0 : i32
    %dma_start3A_203 = arith.constant 0 : i32
    %dma_start3A_204 = tpu.memref_slice %arg4[%dma_start3A_195, %dma_start3A_202, %dma_start3A_203] : memref<2x48x1024xf32, #tpu.memory_space<vmem>> -> memref<1x16x1024xf32, #tpu.memory_space<vmem>>
    %dma_start3A_205 = tpu.memref_squeeze %dma_start3A_204 : memref<1x16x1024xf32, #tpu.memory_space<vmem>> -> memref<16x1024xf32, #tpu.memory_space<vmem>>
    %dma_start3A_206 = arith.constant 0 : i32
    %dma_start3A_207 = tpu.memref_slice %arg2[%add3A_194, %dma_start3A_206] : memref<8192x1024xf32, #tpu.memory_space<hbm>> -> memref<16x1024xf32, #tpu.memory_space<hbm>>
    tpu.enqueue_dma source(%dma_start3A_207 : memref<16x1024xf32, #tpu.memory_space<hbm>>) target(%dma_start3A_205 : memref<16x1024xf32, #tpu.memory_space<vmem>>) target_semaphore(%arg5 : memref<!tpu.dma_semaphore, #tpu.memory_space<semaphore_mem>>)
    %add3A_208 = arith.constant 48 : i32
    %add3A_209 = arith.addi %mul3A_2, %add3A_208 : i32
    %dma_start3A_210 = arith.constant 1 : i32
    %dma_start3A_211 = arith.constant 0 : i32
    %dma_start3A_212 = arith.constant 0 : i32
    %dma_start3A_213 = arith.constant 0 : i32
    %dma_start3A_214 = tpu.memref_slice %arg4[%dma_start3A_210, %dma_start3A_212, %dma_start3A_213] : memref<2x48x1024xf32, #tpu.memory_space<vmem>> -> memref<1x48x1024xf32, #tpu.memory_space<vmem>>
    %dma_start3A_215 = tpu.memref_squeeze %dma_start3A_214 : memref<1x48x1024xf32, #tpu.memory_space<vmem>> -> memref<48x1024xf32, #tpu.memory_space<vmem>>
    %dma_start3A_216 = arith.constant 0 : i32
    %dma_start3A_217 = tpu.memref_slice %arg3[%dma_start3A_211, %add3A_209, %dma_start3A_216] : memref<4x4096x1024xf32, #tpu.memory_space<hbm>> -> memref<1x48x1024xf32, #tpu.memory_space<hbm>>
    %dma_start3A_218 = tpu.memref_squeeze %dma_start3A_217 : memref<1x48x1024xf32, #tpu.memory_space<hbm>> -> memref<48x1024xf32, #tpu.memory_space<hbm>>
    %dma_start3A_219 = arith.constant 0 : i32
    %dma_start3A_220 = tpu.memref_slice %arg3[%dma_start3A_211, %add3A_209, %dma_start3A_219] : memref<4x4096x1024xf32, #tpu.memory_space<hbm>> -> memref<1x48x1024xf32, #tpu.memory_space<hbm>>
    %dma_start3A_221 = tpu.memref_squeeze %dma_start3A_220 : memref<1x48x1024xf32, #tpu.memory_space<hbm>> -> memref<48x1024xf32, #tpu.memory_space<hbm>>
    %dma_start3A_222 = arith.constant 0 : i32
    %dma_start3A_223 = arith.constant 0 : i32
    %dma_start3A_224 = tpu.memref_slice %arg4[%dma_start3A_210, %dma_start3A_222, %dma_start3A_223] : memref<2x48x1024xf32, #tpu.memory_space<vmem>> -> memref<1x48x1024xf32, #tpu.memory_space<vmem>>
    %dma_start3A_225 = tpu.memref_squeeze %dma_start3A_224 : memref<1x48x1024xf32, #tpu.memory_space<vmem>> -> memref<48x1024xf32, #tpu.memory_space<vmem>>
    tpu.enqueue_dma source(%dma_start3A_225 : memref<48x1024xf32, #tpu.memory_space<vmem>>) target(%dma_start3A_221 : memref<48x1024xf32, #tpu.memory_space<hbm>>) target_semaphore(%arg6 : memref<!tpu.dma_semaphore, #tpu.memory_space<semaphore_mem>>)
    %add3A_226 = arith.constant 48 : i32
    %add3A_227 = arith.addi %mul3A_2, %add3A_226 : i32
    %dma_start3A_228 = arith.constant 1 : i32
    %dma_start3A_229 = arith.constant 1 : i32
    %dma_start3A_230 = arith.constant 0 : i32
    %dma_start3A_231 = arith.constant 0 : i32
    %dma_start3A_232 = tpu.memref_slice %arg4[%dma_start3A_228, %dma_start3A_230, %dma_start3A_231] : memref<2x48x1024xf32, #tpu.memory_space<vmem>> -> memref<1x48x1024xf32, #tpu.memory_space<vmem>>
    %dma_start3A_233 = tpu.memref_squeeze %dma_start3A_232 : memref<1x48x1024xf32, #tpu.memory_space<vmem>> -> memref<48x1024xf32, #tpu.memory_space<vmem>>
    %dma_start3A_234 = arith.constant 0 : i32
    %dma_start3A_235 = tpu.memref_slice %arg3[%dma_start3A_229, %add3A_227, %dma_start3A_234] : memref<4x4096x1024xf32, #tpu.memory_space<hbm>> -> memref<1x48x1024xf32, #tpu.memory_space<hbm>>
    %dma_start3A_236 = tpu.memref_squeeze %dma_start3A_235 : memref<1x48x1024xf32, #tpu.memory_space<hbm>> -> memref<48x1024xf32, #tpu.memory_space<hbm>>
    %dma_start3A_237 = arith.constant 0 : i32
    %dma_start3A_238 = tpu.memref_slice %arg3[%dma_start3A_229, %add3A_227, %dma_start3A_237] : memref<4x4096x1024xf32, #tpu.memory_space<hbm>> -> memref<1x48x1024xf32, #tpu.memory_space<hbm>>
    %dma_start3A_239 = tpu.memref_squeeze %dma_start3A_238 : memref<1x48x1024xf32, #tpu.memory_space<hbm>> -> memref<48x1024xf32, #tpu.memory_space<hbm>>
    %dma_start3A_240 = arith.constant 0 : i32
    %dma_start3A_241 = arith.constant 0 : i32
    %dma_start3A_242 = tpu.memref_slice %arg4[%dma_start3A_228, %dma_start3A_240, %dma_start3A_241] : memref<2x48x1024xf32, #tpu.memory_space<vmem>> -> memref<1x48x1024xf32, #tpu.memory_space<vmem>>
    %dma_start3A_243 = tpu.memref_squeeze %dma_start3A_242 : memref<1x48x1024xf32, #tpu.memory_space<vmem>> -> memref<48x1024xf32, #tpu.memory_space<vmem>>
    tpu.enqueue_dma source(%dma_start3A_243 : memref<48x1024xf32, #tpu.memory_space<vmem>>) target(%dma_start3A_239 : memref<48x1024xf32, #tpu.memory_space<hbm>>) target_semaphore(%arg6 : memref<!tpu.dma_semaphore, #tpu.memory_space<semaphore_mem>>)
    %add3A_244 = arith.constant 48 : i32
    %add3A_245 = arith.addi %mul3A_2, %add3A_244 : i32
    %dma_start3A_246 = arith.constant 1 : i32
    %dma_start3A_247 = arith.constant 2 : i32
    %dma_start3A_248 = arith.constant 0 : i32
    %dma_start3A_249 = arith.constant 0 : i32
    %dma_start3A_250 = tpu.memref_slice %arg4[%dma_start3A_246, %dma_start3A_248, %dma_start3A_249] : memref<2x48x1024xf32, #tpu.memory_space<vmem>> -> memref<1x48x1024xf32, #tpu.memory_space<vmem>>
    %dma_start3A_251 = tpu.memref_squeeze %dma_start3A_250 : memref<1x48x1024xf32, #tpu.memory_space<vmem>> -> memref<48x1024xf32, #tpu.memory_space<vmem>>
    %dma_start3A_252 = arith.constant 0 : i32
    %dma_start3A_253 = tpu.memref_slice %arg3[%dma_start3A_247, %add3A_245, %dma_start3A_252] : memref<4x4096x1024xf32, #tpu.memory_space<hbm>> -> memref<1x48x1024xf32, #tpu.memory_space<hbm>>
    %dma_start3A_254 = tpu.memref_squeeze %dma_start3A_253 : memref<1x48x1024xf32, #tpu.memory_space<hbm>> -> memref<48x1024xf32, #tpu.memory_space<hbm>>
    %dma_start3A_255 = arith.constant 0 : i32
    %dma_start3A_256 = tpu.memref_slice %arg3[%dma_start3A_247, %add3A_245, %dma_start3A_255] : memref<4x4096x1024xf32, #tpu.memory_space<hbm>> -> memref<1x48x1024xf32, #tpu.memory_space<hbm>>
    %dma_start3A_257 = tpu.memref_squeeze %dma_start3A_256 : memref<1x48x1024xf32, #tpu.memory_space<hbm>> -> memref<48x1024xf32, #tpu.memory_space<hbm>>
    %dma_start3A_258 = arith.constant 0 : i32
    %dma_start3A_259 = arith.constant 0 : i32
    %dma_start3A_260 = tpu.memref_slice %arg4[%dma_start3A_246, %dma_start3A_258, %dma_start3A_259] : memref<2x48x1024xf32, #tpu.memory_space<vmem>> -> memref<1x48x1024xf32, #tpu.memory_space<vmem>>
    %dma_start3A_261 = tpu.memref_squeeze %dma_start3A_260 : memref<1x48x1024xf32, #tpu.memory_space<vmem>> -> memref<48x1024xf32, #tpu.memory_space<vmem>>
    tpu.enqueue_dma source(%dma_start3A_261 : memref<48x1024xf32, #tpu.memory_space<vmem>>) target(%dma_start3A_257 : memref<48x1024xf32, #tpu.memory_space<hbm>>) target_semaphore(%arg6 : memref<!tpu.dma_semaphore, #tpu.memory_space<semaphore_mem>>)
    %add3A_262 = arith.constant 48 : i32
    %add3A_263 = arith.addi %mul3A_2, %add3A_262 : i32
    %dma_start3A_264 = arith.constant 1 : i32
    %dma_start3A_265 = arith.constant 3 : i32
    %dma_start3A_266 = arith.constant 0 : i32
    %dma_start3A_267 = arith.constant 0 : i32
    %dma_start3A_268 = tpu.memref_slice %arg4[%dma_start3A_264, %dma_start3A_266, %dma_start3A_267] : memref<2x48x1024xf32, #tpu.memory_space<vmem>> -> memref<1x48x1024xf32, #tpu.memory_space<vmem>>
    %dma_start3A_269 = tpu.memref_squeeze %dma_start3A_268 : memref<1x48x1024xf32, #tpu.memory_space<vmem>> -> memref<48x1024xf32, #tpu.memory_space<vmem>>
    %dma_start3A_270 = arith.constant 0 : i32
    %dma_start3A_271 = tpu.memref_slice %arg3[%dma_start3A_265, %add3A_263, %dma_start3A_270] : memref<4x4096x1024xf32, #tpu.memory_space<hbm>> -> memref<1x48x1024xf32, #tpu.memory_space<hbm>>
    %dma_start3A_272 = tpu.memref_squeeze %dma_start3A_271 : memref<1x48x1024xf32, #tpu.memory_space<hbm>> -> memref<48x1024xf32, #tpu.memory_space<hbm>>
    %dma_start3A_273 = arith.constant 0 : i32
    %dma_start3A_274 = tpu.memref_slice %arg3[%dma_start3A_265, %add3A_263, %dma_start3A_273] : memref<4x4096x1024xf32, #tpu.memory_space<hbm>> -> memref<1x48x1024xf32, #tpu.memory_space<hbm>>
    %dma_start3A_275 = tpu.memref_squeeze %dma_start3A_274 : memref<1x48x1024xf32, #tpu.memory_space<hbm>> -> memref<48x1024xf32, #tpu.memory_space<hbm>>
    %dma_start3A_276 = arith.constant 0 : i32
    %dma_start3A_277 = arith.constant 0 : i32
    %dma_start3A_278 = tpu.memref_slice %arg4[%dma_start3A_264, %dma_start3A_276, %dma_start3A_277] : memref<2x48x1024xf32, #tpu.memory_space<vmem>> -> memref<1x48x1024xf32, #tpu.memory_space<vmem>>
    %dma_start3A_279 = tpu.memref_squeeze %dma_start3A_278 : memref<1x48x1024xf32, #tpu.memory_space<vmem>> -> memref<48x1024xf32, #tpu.memory_space<vmem>>
    tpu.enqueue_dma source(%dma_start3A_279 : memref<48x1024xf32, #tpu.memory_space<vmem>>) target(%dma_start3A_275 : memref<48x1024xf32, #tpu.memory_space<hbm>>) target_semaphore(%arg6 : memref<!tpu.dma_semaphore, #tpu.memory_space<semaphore_mem>>)
    %dma_wait3A_280 = arith.constant 0 : i32
    %dma_wait3A_281 = arith.constant 0 : i32
    %dma_wait3A_282 = arith.constant 0 : i32
    %dma_wait3A_283 = tpu.memref_slice %arg4[%dma_wait3A_280, %dma_wait3A_281, %dma_wait3A_282] : memref<2x48x1024xf32, #tpu.memory_space<vmem>> -> memref<1x16x1024xf32, #tpu.memory_space<vmem>>
    %dma_wait3A_284 = tpu.memref_squeeze %dma_wait3A_283 : memref<1x16x1024xf32, #tpu.memory_space<vmem>> -> memref<16x1024xf32, #tpu.memory_space<vmem>>
    %dma_wait3A_285 = arith.constant 0 : i32
    %dma_wait3A_286 = tpu.memref_slice %arg2[%add3A_194, %dma_wait3A_285] : memref<8192x1024xf32, #tpu.memory_space<hbm>> -> memref<16x1024xf32, #tpu.memory_space<hbm>>
    %dma_wait3A_287 = arith.constant 0 : i32
    %dma_wait3A_288 = arith.constant 0 : i32
    %dma_wait3A_289 = tpu.memref_slice %arg4[%dma_wait3A_280, %dma_wait3A_287, %dma_wait3A_288] : memref<2x48x1024xf32, #tpu.memory_space<vmem>> -> memref<1x16x1024xf32, #tpu.memory_space<vmem>>
    %dma_wait3A_290 = tpu.memref_squeeze %dma_wait3A_289 : memref<1x16x1024xf32, #tpu.memory_space<vmem>> -> memref<16x1024xf32, #tpu.memory_space<vmem>>
    %dma_wait3A_291 = arith.constant 0 : i32
    %dma_wait3A_292 = tpu.memref_slice %arg2[%add3A_194, %dma_wait3A_291] : memref<8192x1024xf32, #tpu.memory_space<hbm>> -> memref<16x1024xf32, #tpu.memory_space<hbm>>
    tpu.wait_dma2 semaphore(%arg5 : memref<!tpu.dma_semaphore, #tpu.memory_space<semaphore_mem>>) src(%dma_wait3A_292 : memref<16x1024xf32, #tpu.memory_space<hbm>>) dst(%dma_wait3A_290 : memref<16x1024xf32, #tpu.memory_space<vmem>>)
    %dma_wait3A_293 = arith.constant 1 : i32
    %dma_wait3A_294 = arith.constant 0 : i32
    %dma_wait3A_295 = arith.constant 0 : i32
    %dma_wait3A_296 = arith.constant 0 : i32
    %dma_wait3A_297 = tpu.memref_slice %arg4[%dma_wait3A_293, %dma_wait3A_295, %dma_wait3A_296] : memref<2x48x1024xf32, #tpu.memory_space<vmem>> -> memref<1x48x1024xf32, #tpu.memory_space<vmem>>
    %dma_wait3A_298 = tpu.memref_squeeze %dma_wait3A_297 : memref<1x48x1024xf32, #tpu.memory_space<vmem>> -> memref<48x1024xf32, #tpu.memory_space<vmem>>
    %dma_wait3A_299 = arith.constant 0 : i32
    %dma_wait3A_300 = tpu.memref_slice %arg3[%dma_wait3A_294, %add3A_209, %dma_wait3A_299] : memref<4x4096x1024xf32, #tpu.memory_space<hbm>> -> memref<1x48x1024xf32, #tpu.memory_space<hbm>>
    %dma_wait3A_301 = tpu.memref_squeeze %dma_wait3A_300 : memref<1x48x1024xf32, #tpu.memory_space<hbm>> -> memref<48x1024xf32, #tpu.memory_space<hbm>>
    %dma_wait3A_302 = arith.constant 0 : i32
    %dma_wait3A_303 = tpu.memref_slice %arg3[%dma_wait3A_294, %add3A_209, %dma_wait3A_302] : memref<4x4096x1024xf32, #tpu.memory_space<hbm>> -> memref<1x48x1024xf32, #tpu.memory_space<hbm>>
    %dma_wait3A_304 = tpu.memref_squeeze %dma_wait3A_303 : memref<1x48x1024xf32, #tpu.memory_space<hbm>> -> memref<48x1024xf32, #tpu.memory_space<hbm>>
    %dma_wait3A_305 = arith.constant 0 : i32
    %dma_wait3A_306 = arith.constant 0 : i32
    %dma_wait3A_307 = tpu.memref_slice %arg4[%dma_wait3A_293, %dma_wait3A_305, %dma_wait3A_306] : memref<2x48x1024xf32, #tpu.memory_space<vmem>> -> memref<1x48x1024xf32, #tpu.memory_space<vmem>>
    %dma_wait3A_308 = tpu.memref_squeeze %dma_wait3A_307 : memref<1x48x1024xf32, #tpu.memory_space<vmem>> -> memref<48x1024xf32, #tpu.memory_space<vmem>>
    tpu.wait_dma2 semaphore(%arg6 : memref<!tpu.dma_semaphore, #tpu.memory_space<semaphore_mem>>) src(%dma_wait3A_308 : memref<48x1024xf32, #tpu.memory_space<vmem>>) dst(%dma_wait3A_304 : memref<48x1024xf32, #tpu.memory_space<hbm>>)
    %dma_wait3A_309 = arith.constant 1 : i32
    %dma_wait3A_310 = arith.constant 1 : i32
    %dma_wait3A_311 = arith.constant 0 : i32
    %dma_wait3A_312 = arith.constant 0 : i32
    %dma_wait3A_313 = tpu.memref_slice %arg4[%dma_wait3A_309, %dma_wait3A_311, %dma_wait3A_312] : memref<2x48x1024xf32, #tpu.memory_space<vmem>> -> memref<1x48x1024xf32, #tpu.memory_space<vmem>>
    %dma_wait3A_314 = tpu.memref_squeeze %dma_wait3A_313 : memref<1x48x1024xf32, #tpu.memory_space<vmem>> -> memref<48x1024xf32, #tpu.memory_space<vmem>>
    %dma_wait3A_315 = arith.constant 0 : i32
    %dma_wait3A_316 = tpu.memref_slice %arg3[%dma_wait3A_310, %add3A_227, %dma_wait3A_315] : memref<4x4096x1024xf32, #tpu.memory_space<hbm>> -> memref<1x48x1024xf32, #tpu.memory_space<hbm>>
    %dma_wait3A_317 = tpu.memref_squeeze %dma_wait3A_316 : memref<1x48x1024xf32, #tpu.memory_space<hbm>> -> memref<48x1024xf32, #tpu.memory_space<hbm>>
    %dma_wait3A_318 = arith.constant 0 : i32
    %dma_wait3A_319 = tpu.memref_slice %arg3[%dma_wait3A_310, %add3A_227, %dma_wait3A_318] : memref<4x4096x1024xf32, #tpu.memory_space<hbm>> -> memref<1x48x1024xf32, #tpu.memory_space<hbm>>
    %dma_wait3A_320 = tpu.memref_squeeze %dma_wait3A_319 : memref<1x48x1024xf32, #tpu.memory_space<hbm>> -> memref<48x1024xf32, #tpu.memory_space<hbm>>
    %dma_wait3A_321 = arith.constant 0 : i32
    %dma_wait3A_322 = arith.constant 0 : i32
    %dma_wait3A_323 = tpu.memref_slice %arg4[%dma_wait3A_309, %dma_wait3A_321, %dma_wait3A_322] : memref<2x48x1024xf32, #tpu.memory_space<vmem>> -> memref<1x48x1024xf32, #tpu.memory_space<vmem>>
    %dma_wait3A_324 = tpu.memref_squeeze %dma_wait3A_323 : memref<1x48x1024xf32, #tpu.memory_space<vmem>> -> memref<48x1024xf32, #tpu.memory_space<vmem>>
    tpu.wait_dma2 semaphore(%arg6 : memref<!tpu.dma_semaphore, #tpu.memory_space<semaphore_mem>>) src(%dma_wait3A_324 : memref<48x1024xf32, #tpu.memory_space<vmem>>) dst(%dma_wait3A_320 : memref<48x1024xf32, #tpu.memory_space<hbm>>)
    %dma_wait3A_325 = arith.constant 1 : i32
    %dma_wait3A_326 = arith.constant 2 : i32
    %dma_wait3A_327 = arith.constant 0 : i32
    %dma_wait3A_328 = arith.constant 0 : i32
    %dma_wait3A_329 = tpu.memref_slice %arg4[%dma_wait3A_325, %dma_wait3A_327, %dma_wait3A_328] : memref<2x48x1024xf32, #tpu.memory_space<vmem>> -> memref<1x48x1024xf32, #tpu.memory_space<vmem>>
    %dma_wait3A_330 = tpu.memref_squeeze %dma_wait3A_329 : memref<1x48x1024xf32, #tpu.memory_space<vmem>> -> memref<48x1024xf32, #tpu.memory_space<vmem>>
    %dma_wait3A_331 = arith.constant 0 : i32
    %dma_wait3A_332 = tpu.memref_slice %arg3[%dma_wait3A_326, %add3A_245, %dma_wait3A_331] : memref<4x4096x1024xf32, #tpu.memory_space<hbm>> -> memref<1x48x1024xf32, #tpu.memory_space<hbm>>
    %dma_wait3A_333 = tpu.memref_squeeze %dma_wait3A_332 : memref<1x48x1024xf32, #tpu.memory_space<hbm>> -> memref<48x1024xf32, #tpu.memory_space<hbm>>
    %dma_wait3A_334 = arith.constant 0 : i32
    %dma_wait3A_335 = tpu.memref_slice %arg3[%dma_wait3A_326, %add3A_245, %dma_wait3A_334] : memref<4x4096x1024xf32, #tpu.memory_space<hbm>> -> memref<1x48x1024xf32, #tpu.memory_space<hbm>>
    %dma_wait3A_336 = tpu.memref_squeeze %dma_wait3A_335 : memref<1x48x1024xf32, #tpu.memory_space<hbm>> -> memref<48x1024xf32, #tpu.memory_space<hbm>>
    %dma_wait3A_337 = arith.constant 0 : i32
    %dma_wait3A_338 = arith.constant 0 : i32
    %dma_wait3A_339 = tpu.memref_slice %arg4[%dma_wait3A_325, %dma_wait3A_337, %dma_wait3A_338] : memref<2x48x1024xf32, #tpu.memory_space<vmem>> -> memref<1x48x1024xf32, #tpu.memory_space<vmem>>
    %dma_wait3A_340 = tpu.memref_squeeze %dma_wait3A_339 : memref<1x48x1024xf32, #tpu.memory_space<vmem>> -> memref<48x1024xf32, #tpu.memory_space<vmem>>
    tpu.wait_dma2 semaphore(%arg6 : memref<!tpu.dma_semaphore, #tpu.memory_space<semaphore_mem>>) src(%dma_wait3A_340 : memref<48x1024xf32, #tpu.memory_space<vmem>>) dst(%dma_wait3A_336 : memref<48x1024xf32, #tpu.memory_space<hbm>>)
    %dma_wait3A_341 = arith.constant 1 : i32
    %dma_wait3A_342 = arith.constant 3 : i32
    %dma_wait3A_343 = arith.constant 0 : i32
    %dma_wait3A_344 = arith.constant 0 : i32
    %dma_wait3A_345 = tpu.memref_slice %arg4[%dma_wait3A_341, %dma_wait3A_343, %dma_wait3A_344] : memref<2x48x1024xf32, #tpu.memory_space<vmem>> -> memref<1x48x1024xf32, #tpu.memory_space<vmem>>
    %dma_wait3A_346 = tpu.memref_squeeze %dma_wait3A_345 : memref<1x48x1024xf32, #tpu.memory_space<vmem>> -> memref<48x1024xf32, #tpu.memory_space<vmem>>
    %dma_wait3A_347 = arith.constant 0 : i32
    %dma_wait3A_348 = tpu.memref_slice %arg3[%dma_wait3A_342, %add3A_263, %dma_wait3A_347] : memref<4x4096x1024xf32, #tpu.memory_space<hbm>> -> memref<1x48x1024xf32, #tpu.memory_space<hbm>>
    %dma_wait3A_349 = tpu.memref_squeeze %dma_wait3A_348 : memref<1x48x1024xf32, #tpu.memory_space<hbm>> -> memref<48x1024xf32, #tpu.memory_space<hbm>>
    %dma_wait3A_350 = arith.constant 0 : i32
    %dma_wait3A_351 = tpu.memref_slice %arg3[%dma_wait3A_342, %add3A_263, %dma_wait3A_350] : memref<4x4096x1024xf32, #tpu.memory_space<hbm>> -> memref<1x48x1024xf32, #tpu.memory_space<hbm>>
    %dma_wait3A_352 = tpu.memref_squeeze %dma_wait3A_351 : memref<1x48x1024xf32, #tpu.memory_space<hbm>> -> memref<48x1024xf32, #tpu.memory_space<hbm>>
    %dma_wait3A_353 = arith.constant 0 : i32
    %dma_wait3A_354 = arith.constant 0 : i32
    %dma_wait3A_355 = tpu.memref_slice %arg4[%dma_wait3A_341, %dma_wait3A_353, %dma_wait3A_354] : memref<2x48x1024xf32, #tpu.memory_space<vmem>> -> memref<1x48x1024xf32, #tpu.memory_space<vmem>>
    %dma_wait3A_356 = tpu.memref_squeeze %dma_wait3A_355 : memref<1x48x1024xf32, #tpu.memory_space<vmem>> -> memref<48x1024xf32, #tpu.memory_space<vmem>>
    tpu.wait_dma2 semaphore(%arg6 : memref<!tpu.dma_semaphore, #tpu.memory_space<semaphore_mem>>) src(%dma_wait3A_356 : memref<48x1024xf32, #tpu.memory_space<vmem>>) dst(%dma_wait3A_352 : memref<48x1024xf32, #tpu.memory_space<hbm>>)
    %add3A_357 = arith.constant 112 : i32
    %add3A_358 = arith.addi %mul3A_2, %add3A_357 : i32
    %dma_start3A_359 = arith.constant 1 : i32
    %dma_start3A_360 = arith.constant 0 : i32
    %dma_start3A_361 = arith.constant 0 : i32
    %dma_start3A_362 = tpu.memref_slice %arg4[%dma_start3A_359, %dma_start3A_360, %dma_start3A_361] : memref<2x48x1024xf32, #tpu.memory_space<vmem>> -> memref<1x16x1024xf32, #tpu.memory_space<vmem>>
    %dma_start3A_363 = tpu.memref_squeeze %dma_start3A_362 : memref<1x16x1024xf32, #tpu.memory_space<vmem>> -> memref<16x1024xf32, #tpu.memory_space<vmem>>
    %dma_start3A_364 = arith.constant 0 : i32
    %dma_start3A_365 = tpu.memref_slice %arg2[%add3A_358, %dma_start3A_364] : memref<8192x1024xf32, #tpu.memory_space<hbm>> -> memref<16x1024xf32, #tpu.memory_space<hbm>>
    %dma_start3A_366 = arith.constant 0 : i32
    %dma_start3A_367 = arith.constant 0 : i32
    %dma_start3A_368 = tpu.memref_slice %arg4[%dma_start3A_359, %dma_start3A_366, %dma_start3A_367] : memref<2x48x1024xf32, #tpu.memory_space<vmem>> -> memref<1x16x1024xf32, #tpu.memory_space<vmem>>
    %dma_start3A_369 = tpu.memref_squeeze %dma_start3A_368 : memref<1x16x1024xf32, #tpu.memory_space<vmem>> -> memref<16x1024xf32, #tpu.memory_space<vmem>>
    %dma_start3A_370 = arith.constant 0 : i32
    %dma_start3A_371 = tpu.memref_slice %arg2[%add3A_358, %dma_start3A_370] : memref<8192x1024xf32, #tpu.memory_space<hbm>> -> memref<16x1024xf32, #tpu.memory_space<hbm>>
    tpu.enqueue_dma source(%dma_start3A_371 : memref<16x1024xf32, #tpu.memory_space<hbm>>) target(%dma_start3A_369 : memref<16x1024xf32, #tpu.memory_space<vmem>>) target_semaphore(%arg5 : memref<!tpu.dma_semaphore, #tpu.memory_space<semaphore_mem>>)
    %add3A_372 = arith.constant 96 : i32
    %add3A_373 = arith.addi %mul3A_2, %add3A_372 : i32
    %dma_start3A_374 = arith.constant 0 : i32
    %dma_start3A_375 = arith.constant 0 : i32
    %dma_start3A_376 = arith.constant 0 : i32
    %dma_start3A_377 = arith.constant 0 : i32
    %dma_start3A_378 = tpu.memref_slice %arg4[%dma_start3A_374, %dma_start3A_376, %dma_start3A_377] : memref<2x48x1024xf32, #tpu.memory_space<vmem>> -> memref<1x16x1024xf32, #tpu.memory_space<vmem>>
    %dma_start3A_379 = tpu.memref_squeeze %dma_start3A_378 : memref<1x16x1024xf32, #tpu.memory_space<vmem>> -> memref<16x1024xf32, #tpu.memory_space<vmem>>
    %dma_start3A_380 = arith.constant 0 : i32
    %dma_start3A_381 = tpu.memref_slice %arg3[%dma_start3A_375, %add3A_373, %dma_start3A_380] : memref<4x4096x1024xf32, #tpu.memory_space<hbm>> -> memref<1x16x1024xf32, #tpu.memory_space<hbm>>
    %dma_start3A_382 = tpu.memref_squeeze %dma_start3A_381 : memref<1x16x1024xf32, #tpu.memory_space<hbm>> -> memref<16x1024xf32, #tpu.memory_space<hbm>>
    %dma_start3A_383 = arith.constant 0 : i32
    %dma_start3A_384 = tpu.memref_slice %arg3[%dma_start3A_375, %add3A_373, %dma_start3A_383] : memref<4x4096x1024xf32, #tpu.memory_space<hbm>> -> memref<1x16x1024xf32, #tpu.memory_space<hbm>>
    %dma_start3A_385 = tpu.memref_squeeze %dma_start3A_384 : memref<1x16x1024xf32, #tpu.memory_space<hbm>> -> memref<16x1024xf32, #tpu.memory_space<hbm>>
    %dma_start3A_386 = arith.constant 0 : i32
    %dma_start3A_387 = arith.constant 0 : i32
    %dma_start3A_388 = tpu.memref_slice %arg4[%dma_start3A_374, %dma_start3A_386, %dma_start3A_387] : memref<2x48x1024xf32, #tpu.memory_space<vmem>> -> memref<1x16x1024xf32, #tpu.memory_space<vmem>>
    %dma_start3A_389 = tpu.memref_squeeze %dma_start3A_388 : memref<1x16x1024xf32, #tpu.memory_space<vmem>> -> memref<16x1024xf32, #tpu.memory_space<vmem>>
    tpu.enqueue_dma source(%dma_start3A_389 : memref<16x1024xf32, #tpu.memory_space<vmem>>) target(%dma_start3A_385 : memref<16x1024xf32, #tpu.memory_space<hbm>>) target_semaphore(%arg6 : memref<!tpu.dma_semaphore, #tpu.memory_space<semaphore_mem>>)
    %add3A_390 = arith.constant 96 : i32
    %add3A_391 = arith.addi %mul3A_2, %add3A_390 : i32
    %dma_start3A_392 = arith.constant 0 : i32
    %dma_start3A_393 = arith.constant 1 : i32
    %dma_start3A_394 = arith.constant 0 : i32
    %dma_start3A_395 = arith.constant 0 : i32
    %dma_start3A_396 = tpu.memref_slice %arg4[%dma_start3A_392, %dma_start3A_394, %dma_start3A_395] : memref<2x48x1024xf32, #tpu.memory_space<vmem>> -> memref<1x16x1024xf32, #tpu.memory_space<vmem>>
    %dma_start3A_397 = tpu.memref_squeeze %dma_start3A_396 : memref<1x16x1024xf32, #tpu.memory_space<vmem>> -> memref<16x1024xf32, #tpu.memory_space<vmem>>
    %dma_start3A_398 = arith.constant 0 : i32
    %dma_start3A_399 = tpu.memref_slice %arg3[%dma_start3A_393, %add3A_391, %dma_start3A_398] : memref<4x4096x1024xf32, #tpu.memory_space<hbm>> -> memref<1x16x1024xf32, #tpu.memory_space<hbm>>
    %dma_start3A_400 = tpu.memref_squeeze %dma_start3A_399 : memref<1x16x1024xf32, #tpu.memory_space<hbm>> -> memref<16x1024xf32, #tpu.memory_space<hbm>>
    %dma_start3A_401 = arith.constant 0 : i32
    %dma_start3A_402 = tpu.memref_slice %arg3[%dma_start3A_393, %add3A_391, %dma_start3A_401] : memref<4x4096x1024xf32, #tpu.memory_space<hbm>> -> memref<1x16x1024xf32, #tpu.memory_space<hbm>>
    %dma_start3A_403 = tpu.memref_squeeze %dma_start3A_402 : memref<1x16x1024xf32, #tpu.memory_space<hbm>> -> memref<16x1024xf32, #tpu.memory_space<hbm>>
    %dma_start3A_404 = arith.constant 0 : i32
    %dma_start3A_405 = arith.constant 0 : i32
    %dma_start3A_406 = tpu.memref_slice %arg4[%dma_start3A_392, %dma_start3A_404, %dma_start3A_405] : memref<2x48x1024xf32, #tpu.memory_space<vmem>> -> memref<1x16x1024xf32, #tpu.memory_space<vmem>>
    %dma_start3A_407 = tpu.memref_squeeze %dma_start3A_406 : memref<1x16x1024xf32, #tpu.memory_space<vmem>> -> memref<16x1024xf32, #tpu.memory_space<vmem>>
    tpu.enqueue_dma source(%dma_start3A_407 : memref<16x1024xf32, #tpu.memory_space<vmem>>) target(%dma_start3A_403 : memref<16x1024xf32, #tpu.memory_space<hbm>>) target_semaphore(%arg6 : memref<!tpu.dma_semaphore, #tpu.memory_space<semaphore_mem>>)
    %add3A_408 = arith.constant 96 : i32
    %add3A_409 = arith.addi %mul3A_2, %add3A_408 : i32
    %dma_start3A_410 = arith.constant 0 : i32
    %dma_start3A_411 = arith.constant 2 : i32
    %dma_start3A_412 = arith.constant 0 : i32
    %dma_start3A_413 = arith.constant 0 : i32
    %dma_start3A_414 = tpu.memref_slice %arg4[%dma_start3A_410, %dma_start3A_412, %dma_start3A_413] : memref<2x48x1024xf32, #tpu.memory_space<vmem>> -> memref<1x16x1024xf32, #tpu.memory_space<vmem>>
    %dma_start3A_415 = tpu.memref_squeeze %dma_start3A_414 : memref<1x16x1024xf32, #tpu.memory_space<vmem>> -> memref<16x1024xf32, #tpu.memory_space<vmem>>
    %dma_start3A_416 = arith.constant 0 : i32
    %dma_start3A_417 = tpu.memref_slice %arg3[%dma_start3A_411, %add3A_409, %dma_start3A_416] : memref<4x4096x1024xf32, #tpu.memory_space<hbm>> -> memref<1x16x1024xf32, #tpu.memory_space<hbm>>
    %dma_start3A_418 = tpu.memref_squeeze %dma_start3A_417 : memref<1x16x1024xf32, #tpu.memory_space<hbm>> -> memref<16x1024xf32, #tpu.memory_space<hbm>>
    %dma_start3A_419 = arith.constant 0 : i32
    %dma_start3A_420 = tpu.memref_slice %arg3[%dma_start3A_411, %add3A_409, %dma_start3A_419] : memref<4x4096x1024xf32, #tpu.memory_space<hbm>> -> memref<1x16x1024xf32, #tpu.memory_space<hbm>>
    %dma_start3A_421 = tpu.memref_squeeze %dma_start3A_420 : memref<1x16x1024xf32, #tpu.memory_space<hbm>> -> memref<16x1024xf32, #tpu.memory_space<hbm>>
    %dma_start3A_422 = arith.constant 0 : i32
    %dma_start3A_423 = arith.constant 0 : i32
    %dma_start3A_424 = tpu.memref_slice %arg4[%dma_start3A_410, %dma_start3A_422, %dma_start3A_423] : memref<2x48x1024xf32, #tpu.memory_space<vmem>> -> memref<1x16x1024xf32, #tpu.memory_space<vmem>>
    %dma_start3A_425 = tpu.memref_squeeze %dma_start3A_424 : memref<1x16x1024xf32, #tpu.memory_space<vmem>> -> memref<16x1024xf32, #tpu.memory_space<vmem>>
    tpu.enqueue_dma source(%dma_start3A_425 : memref<16x1024xf32, #tpu.memory_space<vmem>>) target(%dma_start3A_421 : memref<16x1024xf32, #tpu.memory_space<hbm>>) target_semaphore(%arg6 : memref<!tpu.dma_semaphore, #tpu.memory_space<semaphore_mem>>)
    %add3A_426 = arith.constant 96 : i32
    %add3A_427 = arith.addi %mul3A_2, %add3A_426 : i32
    %dma_start3A_428 = arith.constant 0 : i32
    %dma_start3A_429 = arith.constant 3 : i32
    %dma_start3A_430 = arith.constant 0 : i32
    %dma_start3A_431 = arith.constant 0 : i32
    %dma_start3A_432 = tpu.memref_slice %arg4[%dma_start3A_428, %dma_start3A_430, %dma_start3A_431] : memref<2x48x1024xf32, #tpu.memory_space<vmem>> -> memref<1x16x1024xf32, #tpu.memory_space<vmem>>
    %dma_start3A_433 = tpu.memref_squeeze %dma_start3A_432 : memref<1x16x1024xf32, #tpu.memory_space<vmem>> -> memref<16x1024xf32, #tpu.memory_space<vmem>>
    %dma_start3A_434 = arith.constant 0 : i32
    %dma_start3A_435 = tpu.memref_slice %arg3[%dma_start3A_429, %add3A_427, %dma_start3A_434] : memref<4x4096x1024xf32, #tpu.memory_space<hbm>> -> memref<1x16x1024xf32, #tpu.memory_space<hbm>>
    %dma_start3A_436 = tpu.memref_squeeze %dma_start3A_435 : memref<1x16x1024xf32, #tpu.memory_space<hbm>> -> memref<16x1024xf32, #tpu.memory_space<hbm>>
    %dma_start3A_437 = arith.constant 0 : i32
    %dma_start3A_438 = tpu.memref_slice %arg3[%dma_start3A_429, %add3A_427, %dma_start3A_437] : memref<4x4096x1024xf32, #tpu.memory_space<hbm>> -> memref<1x16x1024xf32, #tpu.memory_space<hbm>>
    %dma_start3A_439 = tpu.memref_squeeze %dma_start3A_438 : memref<1x16x1024xf32, #tpu.memory_space<hbm>> -> memref<16x1024xf32, #tpu.memory_space<hbm>>
    %dma_start3A_440 = arith.constant 0 : i32
    %dma_start3A_441 = arith.constant 0 : i32
    %dma_start3A_442 = tpu.memref_slice %arg4[%dma_start3A_428, %dma_start3A_440, %dma_start3A_441] : memref<2x48x1024xf32, #tpu.memory_space<vmem>> -> memref<1x16x1024xf32, #tpu.memory_space<vmem>>
    %dma_start3A_443 = tpu.memref_squeeze %dma_start3A_442 : memref<1x16x1024xf32, #tpu.memory_space<vmem>> -> memref<16x1024xf32, #tpu.memory_space<vmem>>
    tpu.enqueue_dma source(%dma_start3A_443 : memref<16x1024xf32, #tpu.memory_space<vmem>>) target(%dma_start3A_439 : memref<16x1024xf32, #tpu.memory_space<hbm>>) target_semaphore(%arg6 : memref<!tpu.dma_semaphore, #tpu.memory_space<semaphore_mem>>)
    %dma_wait3A_444 = arith.constant 1 : i32
    %dma_wait3A_445 = arith.constant 0 : i32
    %dma_wait3A_446 = arith.constant 0 : i32
    %dma_wait3A_447 = tpu.memref_slice %arg4[%dma_wait3A_444, %dma_wait3A_445, %dma_wait3A_446] : memref<2x48x1024xf32, #tpu.memory_space<vmem>> -> memref<1x16x1024xf32, #tpu.memory_space<vmem>>
    %dma_wait3A_448 = tpu.memref_squeeze %dma_wait3A_447 : memref<1x16x1024xf32, #tpu.memory_space<vmem>> -> memref<16x1024xf32, #tpu.memory_space<vmem>>
    %dma_wait3A_449 = arith.constant 0 : i32
    %dma_wait3A_450 = tpu.memref_slice %arg2[%add3A_358, %dma_wait3A_449] : memref<8192x1024xf32, #tpu.memory_space<hbm>> -> memref<16x1024xf32, #tpu.memory_space<hbm>>
    %dma_wait3A_451 = arith.constant 0 : i32
    %dma_wait3A_452 = arith.constant 0 : i32
    %dma_wait3A_453 = tpu.memref_slice %arg4[%dma_wait3A_444, %dma_wait3A_451, %dma_wait3A_452] : memref<2x48x1024xf32, #tpu.memory_space<vmem>> -> memref<1x16x1024xf32, #tpu.memory_space<vmem>>
    %dma_wait3A_454 = tpu.memref_squeeze %dma_wait3A_453 : memref<1x16x1024xf32, #tpu.memory_space<vmem>> -> memref<16x1024xf32, #tpu.memory_space<vmem>>
    %dma_wait3A_455 = arith.constant 0 : i32
    %dma_wait3A_456 = tpu.memref_slice %arg2[%add3A_358, %dma_wait3A_455] : memref<8192x1024xf32, #tpu.memory_space<hbm>> -> memref<16x1024xf32, #tpu.memory_space<hbm>>
    tpu.wait_dma2 semaphore(%arg5 : memref<!tpu.dma_semaphore, #tpu.memory_space<semaphore_mem>>) src(%dma_wait3A_456 : memref<16x1024xf32, #tpu.memory_space<hbm>>) dst(%dma_wait3A_454 : memref<16x1024xf32, #tpu.memory_space<vmem>>)
    %add3A_457 = arith.constant 112 : i32
    %add3A_458 = arith.addi %mul3A_2, %add3A_457 : i32
    %dma_start3A_459 = arith.constant 1 : i32
    %dma_start3A_460 = arith.constant 0 : i32
    %dma_start3A_461 = arith.constant 0 : i32
    %dma_start3A_462 = arith.constant 0 : i32
    %dma_start3A_463 = tpu.memref_slice %arg4[%dma_start3A_459, %dma_start3A_461, %dma_start3A_462] : memref<2x48x1024xf32, #tpu.memory_space<vmem>> -> memref<1x16x1024xf32, #tpu.memory_space<vmem>>
    %dma_start3A_464 = tpu.memref_squeeze %dma_start3A_463 : memref<1x16x1024xf32, #tpu.memory_space<vmem>> -> memref<16x1024xf32, #tpu.memory_space<vmem>>
    %dma_start3A_465 = arith.constant 0 : i32
    %dma_start3A_466 = tpu.memref_slice %arg3[%dma_start3A_460, %add3A_458, %dma_start3A_465] : memref<4x4096x1024xf32, #tpu.memory_space<hbm>> -> memref<1x16x1024xf32, #tpu.memory_space<hbm>>
    %dma_start3A_467 = tpu.memref_squeeze %dma_start3A_466 : memref<1x16x1024xf32, #tpu.memory_space<hbm>> -> memref<16x1024xf32, #tpu.memory_space<hbm>>
    %dma_start3A_468 = arith.constant 0 : i32
    %dma_start3A_469 = tpu.memref_slice %arg3[%dma_start3A_460, %add3A_458, %dma_start3A_468] : memref<4x4096x1024xf32, #tpu.memory_space<hbm>> -> memref<1x16x1024xf32, #tpu.memory_space<hbm>>
    %dma_start3A_470 = tpu.memref_squeeze %dma_start3A_469 : memref<1x16x1024xf32, #tpu.memory_space<hbm>> -> memref<16x1024xf32, #tpu.memory_space<hbm>>
    %dma_start3A_471 = arith.constant 0 : i32
    %dma_start3A_472 = arith.constant 0 : i32
    %dma_start3A_473 = tpu.memref_slice %arg4[%dma_start3A_459, %dma_start3A_471, %dma_start3A_472] : memref<2x48x1024xf32, #tpu.memory_space<vmem>> -> memref<1x16x1024xf32, #tpu.memory_space<vmem>>
    %dma_start3A_474 = tpu.memref_squeeze %dma_start3A_473 : memref<1x16x1024xf32, #tpu.memory_space<vmem>> -> memref<16x1024xf32, #tpu.memory_space<vmem>>
    tpu.enqueue_dma source(%dma_start3A_474 : memref<16x1024xf32, #tpu.memory_space<vmem>>) target(%dma_start3A_470 : memref<16x1024xf32, #tpu.memory_space<hbm>>) target_semaphore(%arg6 : memref<!tpu.dma_semaphore, #tpu.memory_space<semaphore_mem>>)
    %add3A_475 = arith.constant 112 : i32
    %add3A_476 = arith.addi %mul3A_2, %add3A_475 : i32
    %dma_start3A_477 = arith.constant 1 : i32
    %dma_start3A_478 = arith.constant 1 : i32
    %dma_start3A_479 = arith.constant 0 : i32
    %dma_start3A_480 = arith.constant 0 : i32
    %dma_start3A_481 = tpu.memref_slice %arg4[%dma_start3A_477, %dma_start3A_479, %dma_start3A_480] : memref<2x48x1024xf32, #tpu.memory_space<vmem>> -> memref<1x16x1024xf32, #tpu.memory_space<vmem>>
    %dma_start3A_482 = tpu.memref_squeeze %dma_start3A_481 : memref<1x16x1024xf32, #tpu.memory_space<vmem>> -> memref<16x1024xf32, #tpu.memory_space<vmem>>
    %dma_start3A_483 = arith.constant 0 : i32
    %dma_start3A_484 = tpu.memref_slice %arg3[%dma_start3A_478, %add3A_476, %dma_start3A_483] : memref<4x4096x1024xf32, #tpu.memory_space<hbm>> -> memref<1x16x1024xf32, #tpu.memory_space<hbm>>
    %dma_start3A_485 = tpu.memref_squeeze %dma_start3A_484 : memref<1x16x1024xf32, #tpu.memory_space<hbm>> -> memref<16x1024xf32, #tpu.memory_space<hbm>>
    %dma_start3A_486 = arith.constant 0 : i32
    %dma_start3A_487 = tpu.memref_slice %arg3[%dma_start3A_478, %add3A_476, %dma_start3A_486] : memref<4x4096x1024xf32, #tpu.memory_space<hbm>> -> memref<1x16x1024xf32, #tpu.memory_space<hbm>>
    %dma_start3A_488 = tpu.memref_squeeze %dma_start3A_487 : memref<1x16x1024xf32, #tpu.memory_space<hbm>> -> memref<16x1024xf32, #tpu.memory_space<hbm>>
    %dma_start3A_489 = arith.constant 0 : i32
    %dma_start3A_490 = arith.constant 0 : i32
    %dma_start3A_491 = tpu.memref_slice %arg4[%dma_start3A_477, %dma_start3A_489, %dma_start3A_490] : memref<2x48x1024xf32, #tpu.memory_space<vmem>> -> memref<1x16x1024xf32, #tpu.memory_space<vmem>>
    %dma_start3A_492 = tpu.memref_squeeze %dma_start3A_491 : memref<1x16x1024xf32, #tpu.memory_space<vmem>> -> memref<16x1024xf32, #tpu.memory_space<vmem>>
    tpu.enqueue_dma source(%dma_start3A_492 : memref<16x1024xf32, #tpu.memory_space<vmem>>) target(%dma_start3A_488 : memref<16x1024xf32, #tpu.memory_space<hbm>>) target_semaphore(%arg6 : memref<!tpu.dma_semaphore, #tpu.memory_space<semaphore_mem>>)
    %add3A_493 = arith.constant 112 : i32
    %add3A_494 = arith.addi %mul3A_2, %add3A_493 : i32
    %dma_start3A_495 = arith.constant 1 : i32
    %dma_start3A_496 = arith.constant 2 : i32
    %dma_start3A_497 = arith.constant 0 : i32
    %dma_start3A_498 = arith.constant 0 : i32
    %dma_start3A_499 = tpu.memref_slice %arg4[%dma_start3A_495, %dma_start3A_497, %dma_start3A_498] : memref<2x48x1024xf32, #tpu.memory_space<vmem>> -> memref<1x16x1024xf32, #tpu.memory_space<vmem>>
    %dma_start3A_500 = tpu.memref_squeeze %dma_start3A_499 : memref<1x16x1024xf32, #tpu.memory_space<vmem>> -> memref<16x1024xf32, #tpu.memory_space<vmem>>
    %dma_start3A_501 = arith.constant 0 : i32
    %dma_start3A_502 = tpu.memref_slice %arg3[%dma_start3A_496, %add3A_494, %dma_start3A_501] : memref<4x4096x1024xf32, #tpu.memory_space<hbm>> -> memref<1x16x1024xf32, #tpu.memory_space<hbm>>
    %dma_start3A_503 = tpu.memref_squeeze %dma_start3A_502 : memref<1x16x1024xf32, #tpu.memory_space<hbm>> -> memref<16x1024xf32, #tpu.memory_space<hbm>>
    %dma_start3A_504 = arith.constant 0 : i32
    %dma_start3A_505 = tpu.memref_slice %arg3[%dma_start3A_496, %add3A_494, %dma_start3A_504] : memref<4x4096x1024xf32, #tpu.memory_space<hbm>> -> memref<1x16x1024xf32, #tpu.memory_space<hbm>>
    %dma_start3A_506 = tpu.memref_squeeze %dma_start3A_505 : memref<1x16x1024xf32, #tpu.memory_space<hbm>> -> memref<16x1024xf32, #tpu.memory_space<hbm>>
    %dma_start3A_507 = arith.constant 0 : i32
    %dma_start3A_508 = arith.constant 0 : i32
    %dma_start3A_509 = tpu.memref_slice %arg4[%dma_start3A_495, %dma_start3A_507, %dma_start3A_508] : memref<2x48x1024xf32, #tpu.memory_space<vmem>> -> memref<1x16x1024xf32, #tpu.memory_space<vmem>>
    %dma_start3A_510 = tpu.memref_squeeze %dma_start3A_509 : memref<1x16x1024xf32, #tpu.memory_space<vmem>> -> memref<16x1024xf32, #tpu.memory_space<vmem>>
    tpu.enqueue_dma source(%dma_start3A_510 : memref<16x1024xf32, #tpu.memory_space<vmem>>) target(%dma_start3A_506 : memref<16x1024xf32, #tpu.memory_space<hbm>>) target_semaphore(%arg6 : memref<!tpu.dma_semaphore, #tpu.memory_space<semaphore_mem>>)
    %add3A_511 = arith.constant 112 : i32
    %add3A_512 = arith.addi %mul3A_2, %add3A_511 : i32
    %dma_start3A_513 = arith.constant 1 : i32
    %dma_start3A_514 = arith.constant 3 : i32
    %dma_start3A_515 = arith.constant 0 : i32
    %dma_start3A_516 = arith.constant 0 : i32
    %dma_start3A_517 = tpu.memref_slice %arg4[%dma_start3A_513, %dma_start3A_515, %dma_start3A_516] : memref<2x48x1024xf32, #tpu.memory_space<vmem>> -> memref<1x16x1024xf32, #tpu.memory_space<vmem>>
    %dma_start3A_518 = tpu.memref_squeeze %dma_start3A_517 : memref<1x16x1024xf32, #tpu.memory_space<vmem>> -> memref<16x1024xf32, #tpu.memory_space<vmem>>
    %dma_start3A_519 = arith.constant 0 : i32
    %dma_start3A_520 = tpu.memref_slice %arg3[%dma_start3A_514, %add3A_512, %dma_start3A_519] : memref<4x4096x1024xf32, #tpu.memory_space<hbm>> -> memref<1x16x1024xf32, #tpu.memory_space<hbm>>
    %dma_start3A_521 = tpu.memref_squeeze %dma_start3A_520 : memref<1x16x1024xf32, #tpu.memory_space<hbm>> -> memref<16x1024xf32, #tpu.memory_space<hbm>>
    %dma_start3A_522 = arith.constant 0 : i32
    %dma_start3A_523 = tpu.memref_slice %arg3[%dma_start3A_514, %add3A_512, %dma_start3A_522] : memref<4x4096x1024xf32, #tpu.memory_space<hbm>> -> memref<1x16x1024xf32, #tpu.memory_space<hbm>>
    %dma_start3A_524 = tpu.memref_squeeze %dma_start3A_523 : memref<1x16x1024xf32, #tpu.memory_space<hbm>> -> memref<16x1024xf32, #tpu.memory_space<hbm>>
    %dma_start3A_525 = arith.constant 0 : i32
    %dma_start3A_526 = arith.constant 0 : i32
    %dma_start3A_527 = tpu.memref_slice %arg4[%dma_start3A_513, %dma_start3A_525, %dma_start3A_526] : memref<2x48x1024xf32, #tpu.memory_space<vmem>> -> memref<1x16x1024xf32, #tpu.memory_space<vmem>>
    %dma_start3A_528 = tpu.memref_squeeze %dma_start3A_527 : memref<1x16x1024xf32, #tpu.memory_space<vmem>> -> memref<16x1024xf32, #tpu.memory_space<vmem>>
    tpu.enqueue_dma source(%dma_start3A_528 : memref<16x1024xf32, #tpu.memory_space<vmem>>) target(%dma_start3A_524 : memref<16x1024xf32, #tpu.memory_space<hbm>>) target_semaphore(%arg6 : memref<!tpu.dma_semaphore, #tpu.memory_space<semaphore_mem>>)
    %dma_wait3A_529 = arith.constant 0 : i32
    %dma_wait3A_530 = arith.constant 0 : i32
    %dma_wait3A_531 = arith.constant 0 : i32
    %dma_wait3A_532 = arith.constant 0 : i32
    %dma_wait3A_533 = tpu.memref_slice %arg4[%dma_wait3A_529, %dma_wait3A_531, %dma_wait3A_532] : memref<2x48x1024xf32, #tpu.memory_space<vmem>> -> memref<1x16x1024xf32, #tpu.memory_space<vmem>>
    %dma_wait3A_534 = tpu.memref_squeeze %dma_wait3A_533 : memref<1x16x1024xf32, #tpu.memory_space<vmem>> -> memref<16x1024xf32, #tpu.memory_space<vmem>>
    %dma_wait3A_535 = arith.constant 0 : i32
    %dma_wait3A_536 = tpu.memref_slice %arg3[%dma_wait3A_530, %add3A_373, %dma_wait3A_535] : memref<4x4096x1024xf32, #tpu.memory_space<hbm>> -> memref<1x16x1024xf32, #tpu.memory_space<hbm>>
    %dma_wait3A_537 = tpu.memref_squeeze %dma_wait3A_536 : memref<1x16x1024xf32, #tpu.memory_space<hbm>> -> memref<16x1024xf32, #tpu.memory_space<hbm>>
    %dma_wait3A_538 = arith.constant 0 : i32
    %dma_wait3A_539 = tpu.memref_slice %arg3[%dma_wait3A_530, %add3A_373, %dma_wait3A_538] : memref<4x4096x1024xf32, #tpu.memory_space<hbm>> -> memref<1x16x1024xf32, #tpu.memory_space<hbm>>
    %dma_wait3A_540 = tpu.memref_squeeze %dma_wait3A_539 : memref<1x16x1024xf32, #tpu.memory_space<hbm>> -> memref<16x1024xf32, #tpu.memory_space<hbm>>
    %dma_wait3A_541 = arith.constant 0 : i32
    %dma_wait3A_542 = arith.constant 0 : i32
    %dma_wait3A_543 = tpu.memref_slice %arg4[%dma_wait3A_529, %dma_wait3A_541, %dma_wait3A_542] : memref<2x48x1024xf32, #tpu.memory_space<vmem>> -> memref<1x16x1024xf32, #tpu.memory_space<vmem>>
    %dma_wait3A_544 = tpu.memref_squeeze %dma_wait3A_543 : memref<1x16x1024xf32, #tpu.memory_space<vmem>> -> memref<16x1024xf32, #tpu.memory_space<vmem>>
    tpu.wait_dma2 semaphore(%arg6 : memref<!tpu.dma_semaphore, #tpu.memory_space<semaphore_mem>>) src(%dma_wait3A_544 : memref<16x1024xf32, #tpu.memory_space<vmem>>) dst(%dma_wait3A_540 : memref<16x1024xf32, #tpu.memory_space<hbm>>)
    %dma_wait3A_545 = arith.constant 0 : i32
    %dma_wait3A_546 = arith.constant 1 : i32
    %dma_wait3A_547 = arith.constant 0 : i32
    %dma_wait3A_548 = arith.constant 0 : i32
    %dma_wait3A_549 = tpu.memref_slice %arg4[%dma_wait3A_545, %dma_wait3A_547, %dma_wait3A_548] : memref<2x48x1024xf32, #tpu.memory_space<vmem>> -> memref<1x16x1024xf32, #tpu.memory_space<vmem>>
    %dma_wait3A_550 = tpu.memref_squeeze %dma_wait3A_549 : memref<1x16x1024xf32, #tpu.memory_space<vmem>> -> memref<16x1024xf32, #tpu.memory_space<vmem>>
    %dma_wait3A_551 = arith.constant 0 : i32
    %dma_wait3A_552 = tpu.memref_slice %arg3[%dma_wait3A_546, %add3A_391, %dma_wait3A_551] : memref<4x4096x1024xf32, #tpu.memory_space<hbm>> -> memref<1x16x1024xf32, #tpu.memory_space<hbm>>
    %dma_wait3A_553 = tpu.memref_squeeze %dma_wait3A_552 : memref<1x16x1024xf32, #tpu.memory_space<hbm>> -> memref<16x1024xf32, #tpu.memory_space<hbm>>
    %dma_wait3A_554 = arith.constant 0 : i32
    %dma_wait3A_555 = tpu.memref_slice %arg3[%dma_wait3A_546, %add3A_391, %dma_wait3A_554] : memref<4x4096x1024xf32, #tpu.memory_space<hbm>> -> memref<1x16x1024xf32, #tpu.memory_space<hbm>>
    %dma_wait3A_556 = tpu.memref_squeeze %dma_wait3A_555 : memref<1x16x1024xf32, #tpu.memory_space<hbm>> -> memref<16x1024xf32, #tpu.memory_space<hbm>>
    %dma_wait3A_557 = arith.constant 0 : i32
    %dma_wait3A_558 = arith.constant 0 : i32
    %dma_wait3A_559 = tpu.memref_slice %arg4[%dma_wait3A_545, %dma_wait3A_557, %dma_wait3A_558] : memref<2x48x1024xf32, #tpu.memory_space<vmem>> -> memref<1x16x1024xf32, #tpu.memory_space<vmem>>
    %dma_wait3A_560 = tpu.memref_squeeze %dma_wait3A_559 : memref<1x16x1024xf32, #tpu.memory_space<vmem>> -> memref<16x1024xf32, #tpu.memory_space<vmem>>
    tpu.wait_dma2 semaphore(%arg6 : memref<!tpu.dma_semaphore, #tpu.memory_space<semaphore_mem>>) src(%dma_wait3A_560 : memref<16x1024xf32, #tpu.memory_space<vmem>>) dst(%dma_wait3A_556 : memref<16x1024xf32, #tpu.memory_space<hbm>>)
    %dma_wait3A_561 = arith.constant 0 : i32
    %dma_wait3A_562 = arith.constant 2 : i32
    %dma_wait3A_563 = arith.constant 0 : i32
    %dma_wait3A_564 = arith.constant 0 : i32
    %dma_wait3A_565 = tpu.memref_slice %arg4[%dma_wait3A_561, %dma_wait3A_563, %dma_wait3A_564] : memref<2x48x1024xf32, #tpu.memory_space<vmem>> -> memref<1x16x1024xf32, #tpu.memory_space<vmem>>
    %dma_wait3A_566 = tpu.memref_squeeze %dma_wait3A_565 : memref<1x16x1024xf32, #tpu.memory_space<vmem>> -> memref<16x1024xf32, #tpu.memory_space<vmem>>
    %dma_wait3A_567 = arith.constant 0 : i32
    %dma_wait3A_568 = tpu.memref_slice %arg3[%dma_wait3A_562, %add3A_409, %dma_wait3A_567] : memref<4x4096x1024xf32, #tpu.memory_space<hbm>> -> memref<1x16x1024xf32, #tpu.memory_space<hbm>>
    %dma_wait3A_569 = tpu.memref_squeeze %dma_wait3A_568 : memref<1x16x1024xf32, #tpu.memory_space<hbm>> -> memref<16x1024xf32, #tpu.memory_space<hbm>>
    %dma_wait3A_570 = arith.constant 0 : i32
    %dma_wait3A_571 = tpu.memref_slice %arg3[%dma_wait3A_562, %add3A_409, %dma_wait3A_570] : memref<4x4096x1024xf32, #tpu.memory_space<hbm>> -> memref<1x16x1024xf32, #tpu.memory_space<hbm>>
    %dma_wait3A_572 = tpu.memref_squeeze %dma_wait3A_571 : memref<1x16x1024xf32, #tpu.memory_space<hbm>> -> memref<16x1024xf32, #tpu.memory_space<hbm>>
    %dma_wait3A_573 = arith.constant 0 : i32
    %dma_wait3A_574 = arith.constant 0 : i32
    %dma_wait3A_575 = tpu.memref_slice %arg4[%dma_wait3A_561, %dma_wait3A_573, %dma_wait3A_574] : memref<2x48x1024xf32, #tpu.memory_space<vmem>> -> memref<1x16x1024xf32, #tpu.memory_space<vmem>>
    %dma_wait3A_576 = tpu.memref_squeeze %dma_wait3A_575 : memref<1x16x1024xf32, #tpu.memory_space<vmem>> -> memref<16x1024xf32, #tpu.memory_space<vmem>>
    tpu.wait_dma2 semaphore(%arg6 : memref<!tpu.dma_semaphore, #tpu.memory_space<semaphore_mem>>) src(%dma_wait3A_576 : memref<16x1024xf32, #tpu.memory_space<vmem>>) dst(%dma_wait3A_572 : memref<16x1024xf32, #tpu.memory_space<hbm>>)
    %dma_wait3A_577 = arith.constant 0 : i32
    %dma_wait3A_578 = arith.constant 3 : i32
    %dma_wait3A_579 = arith.constant 0 : i32
    %dma_wait3A_580 = arith.constant 0 : i32
    %dma_wait3A_581 = tpu.memref_slice %arg4[%dma_wait3A_577, %dma_wait3A_579, %dma_wait3A_580] : memref<2x48x1024xf32, #tpu.memory_space<vmem>> -> memref<1x16x1024xf32, #tpu.memory_space<vmem>>
    %dma_wait3A_582 = tpu.memref_squeeze %dma_wait3A_581 : memref<1x16x1024xf32, #tpu.memory_space<vmem>> -> memref<16x1024xf32, #tpu.memory_space<vmem>>
    %dma_wait3A_583 = arith.constant 0 : i32
    %dma_wait3A_584 = tpu.memref_slice %arg3[%dma_wait3A_578, %add3A_427, %dma_wait3A_583] : memref<4x4096x1024xf32, #tpu.memory_space<hbm>> -> memref<1x16x1024xf32, #tpu.memory_space<hbm>>
    %dma_wait3A_585 = tpu.memref_squeeze %dma_wait3A_584 : memref<1x16x1024xf32, #tpu.memory_space<hbm>> -> memref<16x1024xf32, #tpu.memory_space<hbm>>
    %dma_wait3A_586 = arith.constant 0 : i32
    %dma_wait3A_587 = tpu.memref_slice %arg3[%dma_wait3A_578, %add3A_427, %dma_wait3A_586] : memref<4x4096x1024xf32, #tpu.memory_space<hbm>> -> memref<1x16x1024xf32, #tpu.memory_space<hbm>>
    %dma_wait3A_588 = tpu.memref_squeeze %dma_wait3A_587 : memref<1x16x1024xf32, #tpu.memory_space<hbm>> -> memref<16x1024xf32, #tpu.memory_space<hbm>>
    %dma_wait3A_589 = arith.constant 0 : i32
    %dma_wait3A_590 = arith.constant 0 : i32
    %dma_wait3A_591 = tpu.memref_slice %arg4[%dma_wait3A_577, %dma_wait3A_589, %dma_wait3A_590] : memref<2x48x1024xf32, #tpu.memory_space<vmem>> -> memref<1x16x1024xf32, #tpu.memory_space<vmem>>
    %dma_wait3A_592 = tpu.memref_squeeze %dma_wait3A_591 : memref<1x16x1024xf32, #tpu.memory_space<vmem>> -> memref<16x1024xf32, #tpu.memory_space<vmem>>
    tpu.wait_dma2 semaphore(%arg6 : memref<!tpu.dma_semaphore, #tpu.memory_space<semaphore_mem>>) src(%dma_wait3A_592 : memref<16x1024xf32, #tpu.memory_space<vmem>>) dst(%dma_wait3A_588 : memref<16x1024xf32, #tpu.memory_space<hbm>>)
    %dma_wait3A_593 = arith.constant 1 : i32
    %dma_wait3A_594 = arith.constant 0 : i32
    %dma_wait3A_595 = arith.constant 0 : i32
    %dma_wait3A_596 = arith.constant 0 : i32
    %dma_wait3A_597 = tpu.memref_slice %arg4[%dma_wait3A_593, %dma_wait3A_595, %dma_wait3A_596] : memref<2x48x1024xf32, #tpu.memory_space<vmem>> -> memref<1x16x1024xf32, #tpu.memory_space<vmem>>
    %dma_wait3A_598 = tpu.memref_squeeze %dma_wait3A_597 : memref<1x16x1024xf32, #tpu.memory_space<vmem>> -> memref<16x1024xf32, #tpu.memory_space<vmem>>
    %dma_wait3A_599 = arith.constant 0 : i32
    %dma_wait3A_600 = tpu.memref_slice %arg3[%dma_wait3A_594, %add3A_458, %dma_wait3A_599] : memref<4x4096x1024xf32, #tpu.memory_space<hbm>> -> memref<1x16x1024xf32, #tpu.memory_space<hbm>>
    %dma_wait3A_601 = tpu.memref_squeeze %dma_wait3A_600 : memref<1x16x1024xf32, #tpu.memory_space<hbm>> -> memref<16x1024xf32, #tpu.memory_space<hbm>>
    %dma_wait3A_602 = arith.constant 0 : i32
    %dma_wait3A_603 = tpu.memref_slice %arg3[%dma_wait3A_594, %add3A_458, %dma_wait3A_602] : memref<4x4096x1024xf32, #tpu.memory_space<hbm>> -> memref<1x16x1024xf32, #tpu.memory_space<hbm>>
    %dma_wait3A_604 = tpu.memref_squeeze %dma_wait3A_603 : memref<1x16x1024xf32, #tpu.memory_space<hbm>> -> memref<16x1024xf32, #tpu.memory_space<hbm>>
    %dma_wait3A_605 = arith.constant 0 : i32
    %dma_wait3A_606 = arith.constant 0 : i32
    %dma_wait3A_607 = tpu.memref_slice %arg4[%dma_wait3A_593, %dma_wait3A_605, %dma_wait3A_606] : memref<2x48x1024xf32, #tpu.memory_space<vmem>> -> memref<1x16x1024xf32, #tpu.memory_space<vmem>>
    %dma_wait3A_608 = tpu.memref_squeeze %dma_wait3A_607 : memref<1x16x1024xf32, #tpu.memory_space<vmem>> -> memref<16x1024xf32, #tpu.memory_space<vmem>>
    tpu.wait_dma2 semaphore(%arg6 : memref<!tpu.dma_semaphore, #tpu.memory_space<semaphore_mem>>) src(%dma_wait3A_608 : memref<16x1024xf32, #tpu.memory_space<vmem>>) dst(%dma_wait3A_604 : memref<16x1024xf32, #tpu.memory_space<hbm>>)
    %dma_wait3A_609 = arith.constant 1 : i32
    %dma_wait3A_610 = arith.constant 1 : i32
    %dma_wait3A_611 = arith.constant 0 : i32
    %dma_wait3A_612 = arith.constant 0 : i32
    %dma_wait3A_613 = tpu.memref_slice %arg4[%dma_wait3A_609, %dma_wait3A_611, %dma_wait3A_612] : memref<2x48x1024xf32, #tpu.memory_space<vmem>> -> memref<1x16x1024xf32, #tpu.memory_space<vmem>>
    %dma_wait3A_614 = tpu.memref_squeeze %dma_wait3A_613 : memref<1x16x1024xf32, #tpu.memory_space<vmem>> -> memref<16x1024xf32, #tpu.memory_space<vmem>>
    %dma_wait3A_615 = arith.constant 0 : i32
    %dma_wait3A_616 = tpu.memref_slice %arg3[%dma_wait3A_610, %add3A_476, %dma_wait3A_615] : memref<4x4096x1024xf32, #tpu.memory_space<hbm>> -> memref<1x16x1024xf32, #tpu.memory_space<hbm>>
    %dma_wait3A_617 = tpu.memref_squeeze %dma_wait3A_616 : memref<1x16x1024xf32, #tpu.memory_space<hbm>> -> memref<16x1024xf32, #tpu.memory_space<hbm>>
    %dma_wait3A_618 = arith.constant 0 : i32
    %dma_wait3A_619 = tpu.memref_slice %arg3[%dma_wait3A_610, %add3A_476, %dma_wait3A_618] : memref<4x4096x1024xf32, #tpu.memory_space<hbm>> -> memref<1x16x1024xf32, #tpu.memory_space<hbm>>
    %dma_wait3A_620 = tpu.memref_squeeze %dma_wait3A_619 : memref<1x16x1024xf32, #tpu.memory_space<hbm>> -> memref<16x1024xf32, #tpu.memory_space<hbm>>
    %dma_wait3A_621 = arith.constant 0 : i32
    %dma_wait3A_622 = arith.constant 0 : i32
    %dma_wait3A_623 = tpu.memref_slice %arg4[%dma_wait3A_609, %dma_wait3A_621, %dma_wait3A_622] : memref<2x48x1024xf32, #tpu.memory_space<vmem>> -> memref<1x16x1024xf32, #tpu.memory_space<vmem>>
    %dma_wait3A_624 = tpu.memref_squeeze %dma_wait3A_623 : memref<1x16x1024xf32, #tpu.memory_space<vmem>> -> memref<16x1024xf32, #tpu.memory_space<vmem>>
    tpu.wait_dma2 semaphore(%arg6 : memref<!tpu.dma_semaphore, #tpu.memory_space<semaphore_mem>>) src(%dma_wait3A_624 : memref<16x1024xf32, #tpu.memory_space<vmem>>) dst(%dma_wait3A_620 : memref<16x1024xf32, #tpu.memory_space<hbm>>)
    %dma_wait3A_625 = arith.constant 1 : i32
    %dma_wait3A_626 = arith.constant 2 : i32
    %dma_wait3A_627 = arith.constant 0 : i32
    %dma_wait3A_628 = arith.constant 0 : i32
    %dma_wait3A_629 = tpu.memref_slice %arg4[%dma_wait3A_625, %dma_wait3A_627, %dma_wait3A_628] : memref<2x48x1024xf32, #tpu.memory_space<vmem>> -> memref<1x16x1024xf32, #tpu.memory_space<vmem>>
    %dma_wait3A_630 = tpu.memref_squeeze %dma_wait3A_629 : memref<1x16x1024xf32, #tpu.memory_space<vmem>> -> memref<16x1024xf32, #tpu.memory_space<vmem>>
    %dma_wait3A_631 = arith.constant 0 : i32
    %dma_wait3A_632 = tpu.memref_slice %arg3[%dma_wait3A_626, %add3A_494, %dma_wait3A_631] : memref<4x4096x1024xf32, #tpu.memory_space<hbm>> -> memref<1x16x1024xf32, #tpu.memory_space<hbm>>
    %dma_wait3A_633 = tpu.memref_squeeze %dma_wait3A_632 : memref<1x16x1024xf32, #tpu.memory_space<hbm>> -> memref<16x1024xf32, #tpu.memory_space<hbm>>
    %dma_wait3A_634 = arith.constant 0 : i32
    %dma_wait3A_635 = tpu.memref_slice %arg3[%dma_wait3A_626, %add3A_494, %dma_wait3A_634] : memref<4x4096x1024xf32, #tpu.memory_space<hbm>> -> memref<1x16x1024xf32, #tpu.memory_space<hbm>>
    %dma_wait3A_636 = tpu.memref_squeeze %dma_wait3A_635 : memref<1x16x1024xf32, #tpu.memory_space<hbm>> -> memref<16x1024xf32, #tpu.memory_space<hbm>>
    %dma_wait3A_637 = arith.constant 0 : i32
    %dma_wait3A_638 = arith.constant 0 : i32
    %dma_wait3A_639 = tpu.memref_slice %arg4[%dma_wait3A_625, %dma_wait3A_637, %dma_wait3A_638] : memref<2x48x1024xf32, #tpu.memory_space<vmem>> -> memref<1x16x1024xf32, #tpu.memory_space<vmem>>
    %dma_wait3A_640 = tpu.memref_squeeze %dma_wait3A_639 : memref<1x16x1024xf32, #tpu.memory_space<vmem>> -> memref<16x1024xf32, #tpu.memory_space<vmem>>
    tpu.wait_dma2 semaphore(%arg6 : memref<!tpu.dma_semaphore, #tpu.memory_space<semaphore_mem>>) src(%dma_wait3A_640 : memref<16x1024xf32, #tpu.memory_space<vmem>>) dst(%dma_wait3A_636 : memref<16x1024xf32, #tpu.memory_space<hbm>>)
    %dma_wait3A_641 = arith.constant 1 : i32
    %dma_wait3A_642 = arith.constant 3 : i32
    %dma_wait3A_643 = arith.constant 0 : i32
    %dma_wait3A_644 = arith.constant 0 : i32
    %dma_wait3A_645 = tpu.memref_slice %arg4[%dma_wait3A_641, %dma_wait3A_643, %dma_wait3A_644] : memref<2x48x1024xf32, #tpu.memory_space<vmem>> -> memref<1x16x1024xf32, #tpu.memory_space<vmem>>
    %dma_wait3A_646 = tpu.memref_squeeze %dma_wait3A_645 : memref<1x16x1024xf32, #tpu.memory_space<vmem>> -> memref<16x1024xf32, #tpu.memory_space<vmem>>
    %dma_wait3A_647 = arith.constant 0 : i32
    %dma_wait3A_648 = tpu.memref_slice %arg3[%dma_wait3A_642, %add3A_512, %dma_wait3A_647] : memref<4x4096x1024xf32, #tpu.memory_space<hbm>> -> memref<1x16x1024xf32, #tpu.memory_space<hbm>>
    %dma_wait3A_649 = tpu.memref_squeeze %dma_wait3A_648 : memref<1x16x1024xf32, #tpu.memory_space<hbm>> -> memref<16x1024xf32, #tpu.memory_space<hbm>>
    %dma_wait3A_650 = arith.constant 0 : i32
    %dma_wait3A_651 = tpu.memref_slice %arg3[%dma_wait3A_642, %add3A_512, %dma_wait3A_650] : memref<4x4096x1024xf32, #tpu.memory_space<hbm>> -> memref<1x16x1024xf32, #tpu.memory_space<hbm>>
    %dma_wait3A_652 = tpu.memref_squeeze %dma_wait3A_651 : memref<1x16x1024xf32, #tpu.memory_space<hbm>> -> memref<16x1024xf32, #tpu.memory_space<hbm>>
    %dma_wait3A_653 = arith.constant 0 : i32
    %dma_wait3A_654 = arith.constant 0 : i32
    %dma_wait3A_655 = tpu.memref_slice %arg4[%dma_wait3A_641, %dma_wait3A_653, %dma_wait3A_654] : memref<2x48x1024xf32, #tpu.memory_space<vmem>> -> memref<1x16x1024xf32, #tpu.memory_space<vmem>>
    %dma_wait3A_656 = tpu.memref_squeeze %dma_wait3A_655 : memref<1x16x1024xf32, #tpu.memory_space<vmem>> -> memref<16x1024xf32, #tpu.memory_space<vmem>>
    tpu.wait_dma2 semaphore(%arg6 : memref<!tpu.dma_semaphore, #tpu.memory_space<semaphore_mem>>) src(%dma_wait3A_656 : memref<16x1024xf32, #tpu.memory_space<vmem>>) dst(%dma_wait3A_652 : memref<16x1024xf32, #tpu.memory_space<hbm>>)
    return
  }
}

</mosaic_0001>

<sc_bundles>
// kernel: kernel.3.cloned.1.call-start
scs
__scs_entry_jumppad:
0x0: {  	(pc) =	sbr.rel $0x88, $3  }
0x1: {  	(tag) =	ssettag $0x0;
	lr =	simm.s32 $0x1  }
0x2: {  	[smem:$0x3FA0] =	sst lr;
	_ =	strace $0xD0000000  }
0x3: {  	_ = 	snop  }
0x4: {  	_ = 	snop  }
0x5: {  	_ = 	snop  }
0x6: {  	_ = 	snop  }
0x7: {  	_ = 	snop  }
__scs_overlays_trampoline_lowered:
0x8: {  	[smem:$0x3FAF] =	sst s0  }
0x9: {  	[smem:$0x3FB0] =	sst s1  }
0xa: {  	[smem:$0x3FB1] =	sst s2  }
0xb: {  	[smem:$0x3FB2] =	sst s3  }
0xc: {  	[smem:$0x3FB3] =	sst s4  }
0xd: {  	[smem:$0x3FB4] =	sst s5  }
0xe: {  	[smem:$0x3FB5] =	sst s6  }
0xf: {  	[smem:$0x3FB6] =	sst s7  }
0x10: {  	[smem:$0x3FB7] =	sst s8  }
0x11: {  	[smem:$0x3FB8] =	sst s9;
	s0 =	simm.s32 @!p0 $0x0  }
0x12: {  	s1 =	sld [smem:$0x3F9E];
	s0 =	simm.s32 @p0 $0x1  }
0x13: {  	[smem:$0x3FB9] =	sst s0;
	s0 =	simm.s32 @!p1 $0x0  }
0x14: {  	s2 =	sld [smem:$0x3F9D];
	s0 =	simm.s32 @p1 $0x1  }
0x15: {  	[smem:$0x3FBA] =	sst s0;
	s0 =	simm.s32 @!p2 $0x0  }
0x16: {  	s3 =	sld [smem:$0x3FDB];
	s0 =	simm.s32 @p2 $0x1  }
0x17: {  	s4 =	simm.s32 $0x1BF5;
	[smem:$0x3FBC] =	sst s0  }
0x18: {  	s0 =	sld [smem:$0x3F9F];
	_ =	swait.ge [sflag:s4], $0x0  }
0x19: {  	s7 =	sld [smem:$0x3FA0]  }
0x1a: {  	s8 =	sadd.s32 $0xFFFFE003, lr  }
0x1b: {  	s9 =	sadd.s32 $0xFFFFFEF7, lr;
	s5 =	simm.s32 $0xFFFFFFFF;
	p2 =	slt.u32 s8, $0xFFFFF086  }
0x1c: {  	p1 =	slt.u32 s9, $0xF7A;
	s5 =	simm.s32 @!p2 $0x0  }
0x1d: {  	s5 =	simm.s32 @p1 $0x1;
	p0 =	seq.s32 s7, s2  }
0x1e: {  	s7 =	smul.u32 @!p0 $0xF7A, s2;
	p2 =	seq.s32 @!p0 s5, $0x0  }
0x1f: {  	s9 =	smul.u32 $0xF7A, s1;
	s8 =	simm.s32 @!p0 $0x1BF5;
	p2 =	por !p2, p0  }
0x20: {  	[sflag:s8] =	ssyncset.s32 @!p0 $0xFFFFF086;
	s6 =	sadd.s32 @!p0 s3, s7;
	s7 =	simm.s32 @!p0 $0x108  }
0x21: {  	s3 =	sadd.s32 s3, s9;
	s6 =	sadd.s32 @!p0 $0x88, s6;
	s7 =	simm.s32 @p2 $0x1082  }
0x22: {  	[simem:s7], [sflag:s8] =	dma.local @!p0 [hbm:s6], $0xF7A  }
0x23: {  	s9 =	sor.u32 $0xD0000000, s2;
	s6 =	simm.s32 $0x108;
	_ =	swait.ge @!p0 [sflag:s8], $0x0  }
0x24: {  	s3 =	sadd.s32 $0x88, s3;
	s6 =	simm.s32 @!p1 $0x1082;
	[sflag:s4] =	ssyncset.s32 $0xFFFFF086  }
0x25: {  	[simem:s6], [sflag:s4] =	dma.local [hbm:s3], $0xF7A  }
0x26: {  	[smem:$0x3FA0] =	sst s1;
	(tag) =	ssettag s2;
	_ =	strace s9  }
0x27: {  	s1 =	sld [smem:$0x3FB0]  }
0x28: {  	s2 =	sld [smem:$0x3FB1]  }
0x29: {  	s4 =	sld [smem:$0x3FB3]  }
0x2a: {  	p0 =	seq.s32 s5, $0x0;
	s5 =	sld [smem:$0x3FB4]  }
0x2b: {  	s6 =	sld [smem:$0x3FB5]  }
0x2c: {  	s7 =	sld [smem:$0x3FB6]  }
0x2d: {  	s3 =	simm.s32 $0x108;
	s8 =	sld [smem:$0x3FB7]  }
0x2e: {  	s3 =	simm.s32 @!p0 $0x1082;
	s9 =	sld [smem:$0x3FB8]  }
0x2f: {  	lr =	sadd.s32 s0, s3;
	s0 =	sld [smem:$0x3FAF]  }
0x30: {  	s3 =	sld [smem:$0x3FB2]  }
0x31: {  	[smem:$0x3FBB] =	sst s10  }
0x32: {  	s10 =	sld [smem:$0x3FB9];
	_ =	sdelay $0x3  }
0x33: {  	p0 =	seq.s32 s10, $0x1;
	s10 =	sld [smem:$0x3FBB];
	_ =	sdelay $0x3  }
0x34: {  	[smem:$0x3FBB] =	sst s10  }
0x35: {  	s10 =	sld [smem:$0x3FBA];
	_ =	sdelay $0x3  }
0x36: {  	p1 =	seq.s32 s10, $0x1;
	s10 =	sld [smem:$0x3FBB];
	_ =	sdelay $0x3  }
0x37: {  	[smem:$0x3FBB] =	sst s10  }
0x38: {  	s10 =	sld [smem:$0x3FBC]  }
0x39: {  	_ = 	snop;
	(pc) =	sbr.ind lr, $3  }
0x3a: {  	_ = 	snop  }
0x3b: {  	_ = 	snop  }
0x3c: {  	p2 =	seq.s32 s10, $0x1;
	s10 =	sld [smem:$0x3FBB]  }
0x3d: {  	_ =	shalt  }
0x3e: {  	_ =	shalt  }
0x3f: {  	_ =	shalt  }
0x40: {  	_ =	shalt  }
0x41: {  	_ =	shalt  }
0x42: {  	_ =	shalt  }
0x43: {  	_ =	shalt  }
0x44: {  	_ =	shalt  }
0x45: {  	_ =	shalt  }
0x46: {  	_ =	shalt  }
0x47: {  	_ =	shalt  }
0x48: {  	_ =	shalt  }
0x49: {  	_ =	shalt  }
0x4a: {  	_ =	shalt  }
0x4b: {  	_ =	shalt  }
0x4c: {  	_ =	shalt  }
0x4d: {  	_ =	shalt  }
0x4e: {  	_ =	shalt  }
0x4f: {  	_ =	shalt  }
0x50: {  	_ =	shalt  }
0x51: {  	_ =	shalt  }
0x52: {  	_ =	shalt  }
0x53: {  	_ =	shalt  }
0x54: {  	_ =	shalt  }
0x55: {  	_ =	shalt  }
0x56: {  	_ =	shalt  }
0x57: {  	_ =	shalt  }
0x58: {  	_ =	shalt  }
0x59: {  	_ =	shalt  }
0x5a: {  	_ =	shalt  }
0x5b: {  	_ =	shalt  }
0x5c: {  	_ =	shalt  }
0x5d: {  	_ =	shalt  }
0x5e: {  	_ =	shalt  }
0x5f: {  	_ =	shalt  }
0x60: {  	_ =	shalt  }
0x61: {  	_ =	shalt  }
0x62: {  	_ =	shalt  }
0x63: {  	_ =	shalt  }
0x64: {  	_ =	shalt  }
0x65: {  	_ =	shalt  }
0x66: {  	_ =	shalt  }
0x67: {  	_ =	shalt  }
0x68: {  	_ =	shalt  }
0x69: {  	_ =	shalt  }
0x6a: {  	_ =	shalt  }
0x6b: {  	_ =	shalt  }
0x6c: {  	_ =	shalt  }
0x6d: {  	_ =	shalt  }
0x6e: {  	_ =	shalt  }
0x6f: {  	_ =	shalt  }
0x70: {  	_ =	shalt  }
0x71: {  	_ =	shalt  }
0x72: {  	_ =	shalt  }
0x73: {  	_ =	shalt  }
0x74: {  	_ =	shalt  }
0x75: {  	_ =	shalt  }
0x76: {  	_ =	shalt  }
0x77: {  	_ =	shalt  }
0x78: {  	_ =	shalt  }
0x79: {  	_ =	shalt  }
0x7a: {  	_ =	shalt  }
0x7b: {  	_ =	shalt  }
0x7c: {  	_ =	shalt  }
0x7d: {  	_ =	shalt  }
0x7e: {  	_ =	shalt  }
0x7f: {  	_ =	shalt  }
0x80: {  	_ =	shalt  }
0x81: {  	_ =	shalt  }
0x82: {  	_ =	shalt  }
0x83: {  	_ =	shalt  }
0x84: {  	_ =	shalt  }
0x85: {  	_ =	shalt  }
0x86: {  	_ =	shalt  }
0x87: {  	_ =	shalt  }
.Lfunc_end0:
.L_simem_size_0:
called_computation_lowered:
.L_overlay_start_0:
0x88: {  	s2 =	sld [smem:$0x3FD9]  }
0x89: {  	s3 =	sld [smem:$0x3FFE];
	_ =	sdelay $0x1  }
0x8a: {  	s1 =	srdreg.scid  }
0x8b: {  	s0 =	sand.u32 $0x1, s1  }
0x8c: {  	s18 =	sshll.u32 s0, $0xA;
	s2 =	sadd.s32 s3, s2  }
0x8d: {  	s2 =	sadd.s32 s2, s18  }
0x8e: {  	[smem:$0x3FC7] =	sst s2  }
0x8f: {  	_ = 	snop  }
0x90: {  	s2 =	sld [smem:$0x3FC9]  }
0x91: {  	s19 =	sld [smem:$0x3FD0];
	(tm) =	ssettm $0x1  }
0x92: {  	s4 =	sld [smem:$0x3FFB];
	_ =	sdelay $0x3  }
0x93: {  	_ =	strace s4  }
0x94: {  	s4 =	sld [smem:$0x3FFC];
	_ =	sdelay $0x3  }
0x95: {  	_ =	strace s4  }
0x96: {  	s4 =	sld [smem:$0x3FFD];
	_ =	sdelay $0x3  }
0x97: {  	_ =	strace s4  }
0x98: {  	_ =	strace $0x8FFFFFFF  }
0x99: {  	s20 =	sld [smem:$0x3FDB];
	_ =	sdelay $0x1  }
0x9a: {  	s5 =	simm.s32 $_scs_section_size  }
0x9b: {  	s6 =	simm.s32 $_size__tile_overlayer_lowered;
	s7 =	simm.s32 $_tile_overlayer_lowered  }
0x9c: {  	s23 =	simm.s32 $0x1BFF;
	s22 =	sshll.u32 s7, $0x1;
	s4 =	sadd.s32 s5, s20  }
0x9d: {  	s8 =	simm.s32 $0x0;
	s21 =	sshll.u32 s6, $0x1;
	s6 =	sadd.s32 s22, s4  }
0x9e: {  	[timem:s8], [sflag:s23] =	dma.local [hbm:s6], s21  }
0x9f: {  	_ =	swait.ge [sflag:s23], s21  }
0xa0: {  	s5 =	ssub.s32 $0x0, s21;
	[sflag:s23] =	ssyncset.done $0x0  }
0xa1: {  	[sflag:s23] =	ssyncadd.s32 s5;
	_ =	sdelay $0x1  }
0xa2: {  	s24 =	simm.s32 $0x1B8B  }
0xa3: {  	_ =	swait.ge [sflag:s24], $0x1  }
0xa4: {  	[sflag:s24] =	ssyncset.done $0x0  }
0xa5: {  	s25 =	simm.s32 $0x1B8E;
	[sflag:s24] =	ssyncadd.s32 $0xFFFFFFFF  }
0xa6: {  	s26 =	simm.s32 $execute0_lowered;
	[smem:$0x3FD2] =	sst s25  }
0xa7: {  	s5 =	sshll.u32 s26, $0x1;
	_ =	strace $0x80000046;
	[dreg:$0x1] =	wrdreg $0xFFFFFFFF  }
0xa8: {  	s28 =	simm.s32 $_size_execute0_lowered;
	s4 =	sadd.s32 s4, s5;
	[dreg:$0x0] =	wrdreg $0x0  }
0xa9: {  	s5 =	sshll.u32 s28, $0x1;
	[dreg:$0x2] =	wrdreg s4  }
0xaa: {  	[dreg:$0x3] =	wrdreg s5  }
0xab: {  	[dreg:$0x4] =	wrdreg $0xC0  }
0xac: {  	_ =	task [dreg:s8], $0x5FFFF  }
0xad: {  	[dreg:$0x1] =	wrdreg $0xFFFFFFFF  }
0xae: {  	[dreg:$0x0] =	wrdreg $0x60  }
0xaf: {  	[dreg:$0x2] =	wrdreg s2  }
0xb0: {  	[dreg:$0x3] =	wrdreg s19  }
0xb1: {  	[dreg:$0x4] =	wrdreg $0x9  }
0xb2: {  	_ =	task.clear_ibuf [dreg:s8], $0x5FFFF;
	_ =	strace $0x90000046  }
0xb3: {  	s29 =	simm.s32 $0x9;
	_ =	strace $0x80000048  }
0xb4: {  	_ =	swait.ge [sflag:s29], $0x1  }
0xb5: {  	[sflag:s29] =	ssyncadd.s32 $0xFFFFFFFF  }
0xb6: {  	_ =	strace $0x90000048  }
0xb7: {  	_ =	sfence  }
0xb8: {  	s30 =	sld [smem:$0x0];
	_ =	sdelay $0x2  }
0xb9: {  	s31 =	sshll.u32 s1, $0xD;
	s1 =	sshrl.u32 s1, $0x2  }
0xba: {  	s3 =	sand.u32 $0x4000, s31;
	s1 =	sadd.s32 s1, s30  }
0xbb: {  	s0 =	sor.u32 s3, s0;
	s1 =	sshll.u32 s1, $0x11  }
0xbc: {  	s0 =	sor.u32 s1, s0  }
0xbd: {  	s0 =	sadd.s32 $0x8F2B, s0  }
0xbe: {  	[sflag:s0] =	ssyncadd.remote.s32 $0x1  }
0xbf: {  	_ =	sfence.sel $0xFFFF  }
0xc0: {  	[dreg:$0x0] =	wrdreg $0xFFFFFFFF;
	(pc) =	sbr.abs _section_cstart, $3  }
0xc1: {  	[dreg:$0x1] =	wrdreg $0xFFFFFFFF  }
0xc2: {  	_ =	task.clear_ibuf [dreg:s8], $0x2FFFF;
	_ =	strace $0x9FFFFFFF  }
0xc3: {  	(tm) =	ssettm $0x7FFFFFFF  }
tec
execute0_lowered:
.L_overlay_start_1:
0x0: {  	(tag) =	ssettag $0x1  }
0x1: {  	s17 =	rddreg [dreg:$0x0]  }
0x2: {  	s22 =	rddreg [dreg:$0x1];
	s2 =	srdreg.scid  }
0x3: {  	s0 =	rddreg [dreg:$0x2];
	s1 =	stileid.u32;
	s26 =	sand.u32 $0x1, s2  }
0x4: {  	s2 =	simm.s32 $0x0;
	s3 =	sshll.u32 s1, $0xF;
	s4 =	sshll.u32 s26, $0xE  }
0x5: {  	[smem:$0x7FF] =	sst s2;
	s18 =	sor.u32 s4, s3  }
0x6: {  	_ =	strace $0x80000047;
	s4 =	simm.s32 $0x1;
	s3 =	sadd.s32 s17, s18  }
0x7: {  	[tilespmem:s2], [sflag:$0x1] =	stream.linear.gather [hbm4b:s3+s2], $0xC000, $0x38;
	[tilespmem:$0x18000] =	vst v63  }
0x8: {  	_ =	swait.ge [sflag:s4], $0xC000  }
0x9: {  	s13 =	sor.u32 $0x1800, s18;
	[sflag:s4] =	ssyncset.done $0x0  }
0xa: {  	s6 =	simm.s32 $0xC000;
	s5 =	sadd.s32 s17, s13;
	[sflag:s4] =	ssyncadd.s32 $0xFFFF4000  }
0xb: {  	[tilespmem:s6], [sflag:$0x1] =	stream.linear.gather [hbm4b:s5+s2], $0xC000, $0x38;
	[tilespmem:$0x18000] =	vst v63  }
0xc: {  	s7 =	sadd.s32 s22, s18  }
0xd: {  	[hbm4b:s7+s2] =	stream.linear.scatter [tilespmem:s2], [sflag:$0x2], $0xC000, $0x38;
	[tilespmem:$0x18000] =	vst v63  }
0xe: {  	s8 =	sadd.s32 $0x80000, s7  }
0xf: {  	[hbm4b:s8+s2] =	stream.linear.scatter [tilespmem:s2], [sflag:$0x2], $0xC000, $0x38;
	[tilespmem:$0x18000] =	vst v63  }
0x10: {  	s9 =	sadd.s32 $0x100000, s7  }
0x11: {  	[hbm4b:s9+s2] =	stream.linear.scatter [tilespmem:s2], [sflag:$0x2], $0xC000, $0x38;
	[tilespmem:$0x18000] =	vst v63  }
0x12: {  	s10 =	sadd.s32 $0x180000, s7  }
0x13: {  	[hbm4b:s10+s2] =	stream.linear.scatter [tilespmem:s2], [sflag:$0x2], $0xC000, $0x38;
	[tilespmem:$0x18000] =	vst v63  }
0x14: {  	_ =	swait.ge [sflag:s4], $0xC000  }
0x15: {  	[sflag:s4] =	ssyncset.done $0x0  }
0x16: {  	s11 =	simm.s32 $0x2;
	[sflag:s4] =	ssyncadd.s32 $0xFFFF4000  }
0x17: {  	_ =	swait.ge [sflag:s11], $0xC000  }
0x18: {  	[sflag:s11] =	ssyncset.done $0x0  }
0x19: {  	[sflag:s11] =	ssyncadd.s32 $0xFFFF4000  }
0x1a: {  	_ =	swait.ge [sflag:s11], $0xC000  }
0x1b: {  	[sflag:s11] =	ssyncset.done $0x0  }
0x1c: {  	[sflag:s11] =	ssyncadd.s32 $0xFFFF4000  }
0x1d: {  	_ =	swait.ge [sflag:s11], $0xC000  }
0x1e: {  	[sflag:s11] =	ssyncset.done $0x0  }
0x1f: {  	[sflag:s11] =	ssyncadd.s32 $0xFFFF4000  }
0x20: {  	_ =	swait.ge [sflag:s11], $0xC000  }
0x21: {  	s19 =	sor.u32 $0x3000, s18;
	[sflag:s11] =	ssyncset.done $0x0  }
0x22: {  	s12 =	sadd.s32 s17, s19;
	[sflag:s11] =	ssyncadd.s32 $0xFFFF4000  }
0x23: {  	[tilespmem:s2], [sflag:$0x1] =	stream.linear.gather [hbm4b:s12+s2], $0x4000, $0x38;
	[tilespmem:$0x18000] =	vst v63  }
0x24: {  	s13 =	sadd.s32 s22, s13  }
0x25: {  	[hbm4b:s13+s2] =	stream.linear.scatter [tilespmem:s6], [sflag:$0x2], $0xC000, $0x38;
	[tilespmem:$0x18000] =	vst v63  }
0x26: {  	s14 =	sadd.s32 $0x81800, s7  }
0x27: {  	[hbm4b:s14+s2] =	stream.linear.scatter [tilespmem:s6], [sflag:$0x2], $0xC000, $0x38;
	[tilespmem:$0x18000] =	vst v63  }
0x28: {  	s15 =	sadd.s32 $0x101800, s7  }
0x29: {  	[hbm4b:s15+s2] =	stream.linear.scatter [tilespmem:s6], [sflag:$0x2], $0xC000, $0x38;
	[tilespmem:$0x18000] =	vst v63  }
0x2a: {  	s16 =	sadd.s32 $0x181800, s7  }
0x2b: {  	[hbm4b:s16+s2] =	stream.linear.scatter [tilespmem:s6], [sflag:$0x2], $0xC000, $0x38;
	[tilespmem:$0x18000] =	vst v63  }
0x2c: {  	_ =	swait.ge [sflag:s4], $0x4000  }
0x2d: {  	[sflag:s4] =	ssyncset.done $0x0  }
0x2e: {  	[sflag:s4] =	ssyncadd.s32 $0xFFFFC000  }
0x2f: {  	_ =	swait.ge [sflag:s11], $0xC000  }
0x30: {  	[sflag:s11] =	ssyncset.done $0x0  }
0x31: {  	[sflag:s11] =	ssyncadd.s32 $0xFFFF4000  }
0x32: {  	_ =	swait.ge [sflag:s11], $0xC000  }
0x33: {  	[sflag:s11] =	ssyncset.done $0x0  }
0x34: {  	[sflag:s11] =	ssyncadd.s32 $0xFFFF4000  }
0x35: {  	_ =	swait.ge [sflag:s11], $0xC000  }
0x36: {  	[sflag:s11] =	ssyncset.done $0x0  }
0x37: {  	[sflag:s11] =	ssyncadd.s32 $0xFFFF4000  }
0x38: {  	_ =	swait.ge [sflag:s11], $0xC000  }
0x39: {  	s23 =	sor.u32 $0x3800, s18;
	[sflag:s11] =	ssyncset.done $0x0  }
0x3a: {  	s17 =	sadd.s32 s17, s23;
	[sflag:s11] =	ssyncadd.s32 $0xFFFF4000  }
0x3b: {  	[tilespmem:s6], [sflag:$0x1] =	stream.linear.gather [hbm4b:s17+s2], $0x4000, $0x38;
	[tilespmem:$0x18000] =	vst v63  }
0x3c: {  	s18 =	sadd.s32 s22, s19  }
0x3d: {  	[hbm4b:s18+s2] =	stream.linear.scatter [tilespmem:s2], [sflag:$0x2], $0x4000, $0x38;
	[tilespmem:$0x18000] =	vst v63  }
0x3e: {  	s19 =	sadd.s32 $0x83000, s7  }
0x3f: {  	[hbm4b:s19+s2] =	stream.linear.scatter [tilespmem:s2], [sflag:$0x2], $0x4000, $0x38;
	[tilespmem:$0x18000] =	vst v63  }
0x40: {  	s20 =	sadd.s32 $0x103000, s7  }
0x41: {  	[hbm4b:s20+s2] =	stream.linear.scatter [tilespmem:s2], [sflag:$0x2], $0x4000, $0x38;
	[tilespmem:$0x18000] =	vst v63  }
0x42: {  	s21 =	sadd.s32 $0x183000, s7  }
0x43: {  	[hbm4b:s21+s2] =	stream.linear.scatter [tilespmem:s2], [sflag:$0x2], $0x4000, $0x38;
	[tilespmem:$0x18000] =	vst v63  }
0x44: {  	_ =	swait.ge [sflag:s4], $0x4000  }
0x45: {  	[sflag:s4] =	ssyncset.done $0x0  }
0x46: {  	s22 =	sadd.s32 s22, s23;
	[sflag:s4] =	ssyncadd.s32 $0xFFFFC000  }
0x47: {  	[hbm4b:s22+s2] =	stream.linear.scatter [tilespmem:s6], [sflag:$0x2], $0x4000, $0x38;
	[tilespmem:$0x18000] =	vst v63  }
0x48: {  	s23 =	sadd.s32 $0x83800, s7  }
0x49: {  	[hbm4b:s23+s2] =	stream.linear.scatter [tilespmem:s6], [sflag:$0x2], $0x4000, $0x38;
	[tilespmem:$0x18000] =	vst v63  }
0x4a: {  	s24 =	sadd.s32 $0x103800, s7  }
0x4b: {  	[hbm4b:s24+s2] =	stream.linear.scatter [tilespmem:s6], [sflag:$0x2], $0x4000, $0x38;
	[tilespmem:$0x18000] =	vst v63  }
0x4c: {  	s25 =	sadd.s32 $0x183800, s7  }
0x4d: {  	[hbm4b:s25+s2] =	stream.linear.scatter [tilespmem:s6], [sflag:$0x2], $0x4000, $0x38;
	[tilespmem:$0x18000] =	vst v63  }
0x4e: {  	_ =	swait.ge [sflag:s11], $0x4000  }
0x4f: {  	[sflag:s11] =	ssyncset.done $0x0  }
0x50: {  	[sflag:s11] =	ssyncadd.s32 $0xFFFFC000  }
0x51: {  	_ =	swait.ge [sflag:s11], $0x4000  }
0x52: {  	[sflag:s11] =	ssyncset.done $0x0  }
0x53: {  	[sflag:s11] =	ssyncadd.s32 $0xFFFFC000  }
0x54: {  	_ =	swait.ge [sflag:s11], $0x4000  }
0x55: {  	[sflag:s11] =	ssyncset.done $0x0  }
0x56: {  	[sflag:s11] =	ssyncadd.s32 $0xFFFFC000  }
0x57: {  	_ =	swait.ge [sflag:s11], $0x4000  }
0x58: {  	[sflag:s11] =	ssyncset.done $0x0  }
0x59: {  	[sflag:s11] =	ssyncadd.s32 $0xFFFFC000  }
0x5a: {  	_ =	swait.ge [sflag:s11], $0x4000  }
0x5b: {  	s26 =	ssub.s32 $0x2, s26;
	[sflag:s11] =	ssyncset.done $0x0  }
0x5c: {  	s28 =	sshrl.u32 s26, $0x1;
	[sflag:s11] =	ssyncadd.s32 $0xFFFFC000  }
0x5d: {  	s26 =	ssub.s32 s26, s28;
	_ =	swait.ge [sflag:s11], $0x4000  }
0x5e: {  	s26 =	smax.u32 s26, $0x1;
	[sflag:s11] =	ssyncset.done $0x0  }
0x5f: {  	p0 =	sne.s32 s26, $0x1;
	[sflag:s11] =	ssyncadd.s32 $0xFFFFC000  }
.Ltmp0:
0x60: {  	_ =	swait.ge [sflag:s11], $0x4000;
	(pc) =	sbr.rel @!p0 .LBB2_2-.Ltmp0, $4  }
0x61: {  	[sflag:s11] =	ssyncset.done $0x0  }
0x62: {  	[sflag:s11] =	ssyncadd.s32 $0xFFFFC000  }
0x63: {  	_ =	swait.ge [sflag:s11], $0x4000  }
0x64: {  	s26 =	sadd.s32 $0xFFFFFFFF, s26;
	[sflag:s11] =	ssyncset.done $0x0  }
.LBB2_1:
0x65: {  	p0 =	sne.s32 s26, $0x1;
	s26 =	sadd.s32 $0xFFFFFFFF, s26;
	[sflag:s11] =	ssyncadd.s32 $0xFFFFC000  }
0x66: {  	[tilespmem:s2], [sflag:$0x1] =	stream.linear.gather [hbm4b:s3+s2], $0xC000, $0x38;
	[tilespmem:$0x18000] =	vst v63  }
0x67: {  	_ =	swait.ge [sflag:s4], $0xC000  }
0x68: {  	[sflag:s4] =	ssyncset.done $0x0  }
0x69: {  	[sflag:s4] =	ssyncadd.s32 $0xFFFF4000  }
0x6a: {  	[tilespmem:s6], [sflag:$0x1] =	stream.linear.gather [hbm4b:s5+s2], $0xC000, $0x38;
	[tilespmem:$0x18000] =	vst v63  }
0x6b: {  	_ = 	snop  }
0x6c: {  	[hbm4b:s7+s2] =	stream.linear.scatter [tilespmem:s2], [sflag:$0x2], $0xC000, $0x38;
	[tilespmem:$0x18000] =	vst v63  }
0x6d: {  	_ = 	snop  }
0x6e: {  	[hbm4b:s8+s2] =	stream.linear.scatter [tilespmem:s2], [sflag:$0x2], $0xC000, $0x38;
	[tilespmem:$0x18000] =	vst v63  }
0x6f: {  	_ = 	snop  }
0x70: {  	[hbm4b:s9+s2] =	stream.linear.scatter [tilespmem:s2], [sflag:$0x2], $0xC000, $0x38;
	[tilespmem:$0x18000] =	vst v63  }
0x71: {  	_ = 	snop  }
0x72: {  	[hbm4b:s10+s2] =	stream.linear.scatter [tilespmem:s2], [sflag:$0x2], $0xC000, $0x38;
	[tilespmem:$0x18000] =	vst v63  }
0x73: {  	_ =	swait.ge [sflag:s4], $0xC000  }
0x74: {  	[sflag:s4] =	ssyncset.done $0x0  }
0x75: {  	[sflag:s4] =	ssyncadd.s32 $0xFFFF4000  }
0x76: {  	_ =	swait.ge [sflag:s11], $0xC000  }
0x77: {  	[sflag:s11] =	ssyncset.done $0x0  }
0x78: {  	[sflag:s11] =	ssyncadd.s32 $0xFFFF4000  }
0x79: {  	_ =	swait.ge [sflag:s11], $0xC000  }
0x7a: {  	[sflag:s11] =	ssyncset.done $0x0  }
0x7b: {  	[sflag:s11] =	ssyncadd.s32 $0xFFFF4000  }
0x7c: {  	_ =	swait.ge [sflag:s11], $0xC000  }
0x7d: {  	[sflag:s11] =	ssyncset.done $0x0  }
0x7e: {  	[sflag:s11] =	ssyncadd.s32 $0xFFFF4000  }
0x7f: {  	_ =	swait.ge [sflag:s11], $0xC000  }
0x80: {  	[sflag:s11] =	ssyncset.done $0x0  }
0x81: {  	[sflag:s11] =	ssyncadd.s32 $0xFFFF4000  }
0x82: {  	[tilespmem:s2], [sflag:$0x1] =	stream.linear.gather [hbm4b:s12+s2], $0x4000, $0x38;
	[tilespmem:$0x18000] =	vst v63  }
0x83: {  	_ = 	snop  }
0x84: {  	[hbm4b:s13+s2] =	stream.linear.scatter [tilespmem:s6], [sflag:$0x2], $0xC000, $0x38;
	[tilespmem:$0x18000] =	vst v63  }
0x85: {  	_ = 	snop  }
0x86: {  	[hbm4b:s14+s2] =	stream.linear.scatter [tilespmem:s6], [sflag:$0x2], $0xC000, $0x38;
	[tilespmem:$0x18000] =	vst v63  }
0x87: {  	_ = 	snop  }
0x88: {  	[hbm4b:s15+s2] =	stream.linear.scatter [tilespmem:s6], [sflag:$0x2], $0xC000, $0x38;
	[tilespmem:$0x18000] =	vst v63  }
0x89: {  	_ = 	snop  }
0x8a: {  	[hbm4b:s16+s2] =	stream.linear.scatter [tilespmem:s6], [sflag:$0x2], $0xC000, $0x38;
	[tilespmem:$0x18000] =	vst v63  }
0x8b: {  	_ =	swait.ge [sflag:s4], $0x4000  }
0x8c: {  	[sflag:s4] =	ssyncset.done $0x0  }
0x8d: {  	[sflag:s4] =	ssyncadd.s32 $0xFFFFC000  }
0x8e: {  	_ =	swait.ge [sflag:s11], $0xC000  }
0x8f: {  	[sflag:s11] =	ssyncset.done $0x0  }
0x90: {  	[sflag:s11] =	ssyncadd.s32 $0xFFFF4000  }
0x91: {  	_ =	swait.ge [sflag:s11], $0xC000  }
0x92: {  	[sflag:s11] =	ssyncset.done $0x0  }
0x93: {  	[sflag:s11] =	ssyncadd.s32 $0xFFFF4000  }
0x94: {  	_ =	swait.ge [sflag:s11], $0xC000  }
0x95: {  	[sflag:s11] =	ssyncset.done $0x0  }
0x96: {  	[sflag:s11] =	ssyncadd.s32 $0xFFFF4000  }
0x97: {  	_ =	swait.ge [sflag:s11], $0xC000  }
0x98: {  	[sflag:s11] =	ssyncset.done $0x0  }
0x99: {  	[sflag:s11] =	ssyncadd.s32 $0xFFFF4000  }
0x9a: {  	[tilespmem:s6], [sflag:$0x1] =	stream.linear.gather [hbm4b:s17+s2], $0x4000, $0x38;
	[tilespmem:$0x18000] =	vst v63  }
0x9b: {  	_ = 	snop  }
0x9c: {  	[hbm4b:s18+s2] =	stream.linear.scatter [tilespmem:s2], [sflag:$0x2], $0x4000, $0x38;
	[tilespmem:$0x18000] =	vst v63  }
0x9d: {  	_ = 	snop  }
0x9e: {  	[hbm4b:s19+s2] =	stream.linear.scatter [tilespmem:s2], [sflag:$0x2], $0x4000, $0x38;
	[tilespmem:$0x18000] =	vst v63  }
0x9f: {  	_ = 	snop  }
0xa0: {  	[hbm4b:s20+s2] =	stream.linear.scatter [tilespmem:s2], [sflag:$0x2], $0x4000, $0x38;
	[tilespmem:$0x18000] =	vst v63  }
0xa1: {  	_ = 	snop  }
0xa2: {  	[hbm4b:s21+s2] =	stream.linear.scatter [tilespmem:s2], [sflag:$0x2], $0x4000, $0x38;
	[tilespmem:$0x18000] =	vst v63  }
0xa3: {  	_ =	swait.ge [sflag:s4], $0x4000  }
0xa4: {  	[sflag:s4] =	ssyncset.done $0x0  }
0xa5: {  	[sflag:s4] =	ssyncadd.s32 $0xFFFFC000  }
0xa6: {  	[hbm4b:s22+s2] =	stream.linear.scatter [tilespmem:s6], [sflag:$0x2], $0x4000, $0x38;
	[tilespmem:$0x18000] =	vst v63  }
0xa7: {  	_ = 	snop  }
0xa8: {  	[hbm4b:s23+s2] =	stream.linear.scatter [tilespmem:s6], [sflag:$0x2], $0x4000, $0x38;
	[tilespmem:$0x18000] =	vst v63  }
0xa9: {  	_ = 	snop  }
0xaa: {  	[hbm4b:s24+s2] =	stream.linear.scatter [tilespmem:s6], [sflag:$0x2], $0x4000, $0x38;
	[tilespmem:$0x18000] =	vst v63  }
0xab: {  	_ = 	snop  }
0xac: {  	[hbm4b:s25+s2] =	stream.linear.scatter [tilespmem:s6], [sflag:$0x2], $0x4000, $0x38;
	[tilespmem:$0x18000] =	vst v63  }
0xad: {  	_ =	swait.ge [sflag:s11], $0x4000  }
0xae: {  	[sflag:s11] =	ssyncset.done $0x0  }
0xaf: {  	[sflag:s11] =	ssyncadd.s32 $0xFFFFC000  }
0xb0: {  	_ =	swait.ge [sflag:s11], $0x4000  }
0xb1: {  	[sflag:s11] =	ssyncset.done $0x0  }
0xb2: {  	[sflag:s11] =	ssyncadd.s32 $0xFFFFC000  }
0xb3: {  	_ =	swait.ge [sflag:s11], $0x4000  }
0xb4: {  	[sflag:s11] =	ssyncset.done $0x0  }
0xb5: {  	[sflag:s11] =	ssyncadd.s32 $0xFFFFC000  }
0xb6: {  	_ =	swait.ge [sflag:s11], $0x4000  }
0xb7: {  	[sflag:s11] =	ssyncset.done $0x0  }
0xb8: {  	[sflag:s11] =	ssyncadd.s32 $0xFFFFC000  }
0xb9: {  	_ =	swait.ge [sflag:s11], $0x4000  }
0xba: {  	[sflag:s11] =	ssyncset.done $0x0  }
0xbb: {  	[sflag:s11] =	ssyncadd.s32 $0xFFFFC000  }
0xbc: {  	_ =	swait.ge [sflag:s11], $0x4000  }
0xbd: {  	[sflag:s11] =	ssyncset.done $0x0  }
0xbe: {  	[sflag:s11] =	ssyncadd.s32 $0xFFFFC000  }
.Ltmp1:
0xbf: {  	_ =	swait.ge [sflag:s11], $0x4000;
	(pc) =	sbr.rel @p0 .LBB2_1-.Ltmp1, $4  }
0xc0: {  	[sflag:s11] =	ssyncset.done $0x0  }
0xc1: {  	[sflag:s11] =	ssyncadd.s32 $0xFFFFC000  }
0xc2: {  	_ =	swait.ge [sflag:s11], $0x4000  }
0xc3: {  	[sflag:s11] =	ssyncset.done $0x0  }
.LBB2_2:
0xc4: {  	[sflag:s11] =	ssyncadd.s32 $0xFFFFC000  }
0xc5: {  	_ =	sfence.sel $0x180000  }
0xc6: {  	[bflag:$0x0] =	sbarrier.arrive $0xFFFF  }
0xc7: {  	p0 =	sne.s32 s1, $0x0;
	_ =	strace $0x90000047  }
0xc8: {  	s0 =	sadd.s32 @!p0 $0x100000, s0;
	[bflag:$0x2] =	sbarrier.arrive $0xFFFF  }
0xc9: {  	[sflag:s0] =	ssyncadd.tile.s32 @!p0 $0x1;
	_ =	shalt  }
.Lfunc_end2:
_tile_overlayer_lowered:
.L_overlay_start_2:
0xca: {  	(tag) =	ssettag $0x2  }
0xcb: {  	s0 =	rddreg [dreg:$0x0];
	s2 =	stileid.u32  }
0xcc: {  	s1 =	rddreg [dreg:$0x1];
	p0 =	sne.s32 s2, $0x0  }
0xcd: {  	s3 =	rddreg [dreg:$0x2];
	[bflag:$0x3] =	sbarrier.arrive $0xFFFF;
	s2 =	simm.s32 @!p0 $0x1C03  }
0xce: {  	[timem:s3], [sflag:s2] =	dma.local @!p0 [hbm:s0], s1  }
0xcf: {  	s0 =	simm.s32 @!p0 $0x3  }
0xd0: {  	_ =	swait.ge @!p0 [sflag:s0], s1  }
0xd1: {  	s1 =	ssub.s32 @!p0 $0x0, s1;
	[sflag:s0] =	ssyncset.done @!p0 $0x0  }
0xd2: {  	[sflag:s0] =	ssyncadd.s32 @!p0 s1  }
0xd3: {  	[bflag:$0x3] =	sbarrier.arrive $0xFFFF  }
0xd4: {  	_ =	shalt  }

</sc_bundles>
